<compile_context>
chip_gen: v7x
topology: tpu7x:2x2x1
jax: 0.10.2.dev20260603
libtpu: 0.0.44.dev20260713+nightly
codegen_flags: <defaults>
</compile_context>

<pallas_src>
import functools

import jax
import jax.numpy as jnp
from jax import lax
from jax.experimental import pallas as pl
from jax.experimental.pallas import tpu as pltpu
from jax.experimental.pallas import tpu_sc as plsc

N_NODES = 10000
D_FEAT = 128
N_EDGES = 320000

NC = 2
NS = 16
NW = NC * NS

CHUNK = 64
NCHUNK = 160
NBUF = 4

E_PER_W = CHUNK * NCHUNK
E_PAD = E_PER_W * NW

N_PAD = 10240
ROWS_PER_TILE = N_PAD // NS

_MESH = plsc.VectorSubcoreMesh(
    core_axis_name="c", subcore_axis_name="s", num_cores=NC, num_subcores=NS)


@functools.partial(
    pl.kernel,
    out_type=jax.ShapeDtypeStruct((NW, N_PAD), jnp.float32),
    mesh=_MESH,
    compiler_params=pltpu.CompilerParams(needs_layout_passes=False),
    scratch_types=[
        pltpu.VMEM((E_PER_W,), jnp.int32),
        pltpu.VMEM((N_PAD,), jnp.float32),
    ],
)
def _sc_degree(row_hbm, out_hbm, rows_v, deg_v):
    c = lax.axis_index("c")
    s = lax.axis_index("s")
    wid = s * NC + c
    pltpu.sync_copy(row_hbm.at[wid], rows_v)

    def zbody(i, carry):
        deg_v[pl.ds(i * 16, 16)] = jnp.zeros((16,), jnp.float32)
        return carry

    lax.fori_loop(jnp.int32(0), jnp.int32(N_PAD // 16), zbody, jnp.int32(0))

    def body(k, carry):
        idx = rows_v[pl.ds(k * 16, 16)]
        plsc.addupdate_scatter(deg_v, [idx], jnp.ones((16,), jnp.float32))
        return carry

    lax.fori_loop(jnp.int32(0), jnp.int32(E_PER_W // 16), body, jnp.int32(0))
    pltpu.sync_copy(deg_v, out_hbm.at[wid])
    return None


@functools.partial(
    pl.kernel,
    out_type=jax.ShapeDtypeStruct((NC, N_PAD, D_FEAT), jnp.float32),
    mesh=_MESH,
    scratch_types=(
        [pltpu.VMEM((E_PER_W,), jnp.int32)]
        + [pltpu.VMEM((CHUNK,), jnp.int32) for _ in range(NBUF)]
        + [pltpu.VMEM((CHUNK, D_FEAT), jnp.float32) for _ in range(NBUF)]
        + [pltpu.VMEM_SHARED((N_PAD, D_FEAT), jnp.float32)]
        + [pltpu.SemaphoreType.DMA for _ in range(2 * NBUF)]
    ),
)
def _sc_aggregate(y_hbm, row_hbm, col_hbm, zeros_hbm, out_hbm,
                  cols_v, *scr):
    rbufs = scr[:NBUF]
    bufs = scr[NBUF:2 * NBUF]
    acc_sh = scr[2 * NBUF]
    rsems = scr[2 * NBUF + 1:2 * NBUF + 1 + NBUF]
    sems = scr[2 * NBUF + 1 + NBUF:]

    c = lax.axis_index("c")
    s = lax.axis_index("s")
    wid = s * NC + c
    base = s * ROWS_PER_TILE

    pltpu.sync_copy(zeros_hbm, acc_sh.at[pl.ds(base, ROWS_PER_TILE)])
    pltpu.sync_copy(col_hbm.at[wid], cols_v)
    plsc.subcore_barrier()

    for b in range(NBUF):
        jb = jnp.int32(b)
        pltpu.async_copy(row_hbm.at[wid, pl.ds(jb * CHUNK, CHUNK)],
                         rbufs[b], rsems[b])
        pltpu.async_copy(y_hbm.at[cols_v.at[pl.ds(jb * CHUNK, CHUNK)]],
                         bufs[b], sems[b])

    def body(g, carry):
        j0 = g * NBUF
        for b in range(NBUF):
            j = j0 + b
            pltpu.make_async_copy(
                y_hbm.at[cols_v.at[pl.ds(j * CHUNK, CHUNK)]],
                bufs[b], sems[b]).wait()
            pltpu.make_async_copy(
                row_hbm.at[wid, pl.ds(j * CHUNK, CHUNK)],
                rbufs[b], rsems[b]).wait()
            pltpu.sync_copy(bufs[b], acc_sh.at[rbufs[b]], add=True)

            @pl.when(j + NBUF < NCHUNK)
            def _():
                pltpu.async_copy(
                    row_hbm.at[wid, pl.ds((j + NBUF) * CHUNK, CHUNK)],
                    rbufs[b], rsems[b])
                pltpu.async_copy(
                    y_hbm.at[cols_v.at[pl.ds((j + NBUF) * CHUNK, CHUNK)]],
                    bufs[b], sems[b])

        return carry

    lax.fori_loop(jnp.int32(0), jnp.int32(NCHUNK // NBUF), body, jnp.int32(0))

    plsc.subcore_barrier()
    pltpu.sync_copy(acc_sh.at[pl.ds(base, ROWS_PER_TILE)],
                    out_hbm.at[c, pl.ds(base, ROWS_PER_TILE)])
    return None


def _dis_from_parts(deg_parts):
    deg = jnp.sum(deg_parts, axis=0)[:N_NODES, None]
    return jnp.where(deg > 0, lax.rsqrt(jnp.maximum(deg, 1e-38)), 0.0)


def _tc_prep_body(deg_ref, x_ref, y_ref):
    y_ref[...] = _dis_from_parts(deg_ref[...]) * x_ref[...]


def _tc_final_body(deg_ref, x_ref, acc_ref, out_ref):
    dis = _dis_from_parts(deg_ref[...])
    acc = acc_ref[...]
    out_ref[:, :D_FEAT] = x_ref[...]
    out_ref[:, D_FEAT:] = dis * (acc[0, :N_NODES] + acc[1, :N_NODES])


_tc_prep = pl.pallas_call(
    _tc_prep_body,
    out_shape=jax.ShapeDtypeStruct((N_NODES, D_FEAT), jnp.float32),
)

_tc_final = pl.pallas_call(
    _tc_final_body,
    out_shape=jax.ShapeDtypeStruct((N_NODES, 2 * D_FEAT), jnp.float32),
)


@jax.jit
def _run(x, edge_index):
    row = edge_index[0].astype(jnp.int32)
    col = edge_index[1].astype(jnp.int32)
    pad = E_PAD - N_EDGES
    drow = N_NODES + (jnp.arange(pad, dtype=jnp.int32) % (N_PAD - N_NODES))
    dcol = jnp.arange(pad, dtype=jnp.int32) % N_NODES
    row_p = jnp.concatenate([row, drow]).reshape(NW, E_PER_W)
    col_p = jnp.concatenate([col, dcol]).reshape(NW, E_PER_W)

    z128 = jnp.zeros((ROWS_PER_TILE, D_FEAT), jnp.float32)

    deg_parts = _sc_degree(row_p)
    y = _tc_prep(deg_parts, x)
    acc_parts = _sc_aggregate(y, row_p, col_p, z128)
    return _tc_final(deg_parts, x, acc_parts)


def kernel(x, edge_index):
    return _run(x, edge_index)

# --- scband reference (transcript-rebuilt; emitter-appended) ---
"""Pipeline reference for scband-gcnnorm-node-label-aggregator-16535624090045 (READ-ONLY COPY).

The authoritative reference and input builder live on the scoring server;
editing this copy changes nothing except your own understanding.
"""

import jax
jax.config.update("jax_enable_x64", True)
import jax.numpy as jnp
import numpy as np

N_NODES = 10000
D_FEAT = 128
N_EDGES = 320000


def setup_inputs(seed: int = 0) -> dict:
    key = jax.random.key(seed)
    k1, k2 = jax.random.split(key)
    x = jax.random.normal(k1, (N_NODES, D_FEAT), dtype=jnp.float32)
    edge_index = jax.random.randint(k2, (2, N_EDGES), 0, N_NODES, dtype=jnp.int64)
    return {"x": x, "edge_index": edge_index}


def reference(x, edge_index):
    # SparseTensor.from_edge_index: A[row, col] = 1 with row = edge_index[0], col = edge_index[1]
    N = x.shape[0]
    row = edge_index[0]
    col = edge_index[1]
    # gcn_norm with add_self_loops=False:
    # deg = row-sum of A (count of outgoing entries per row)
    ones = jnp.ones(row.shape[0], dtype=x.dtype)
    deg = jax.ops.segment_sum(ones, row, num_segments=N)
    deg_inv_sqrt = jnp.where(deg > 0, jax.lax.rsqrt(jnp.maximum(deg, 1e-38)), 0.0).astype(x.dtype)
    # normalized edge value: d_row^{-1/2} * d_col^{-1/2}
    val = deg_inv_sqrt[row] * deg_inv_sqrt[col]
    # adj_norm.matmul(x): out[row] += val * x[col]  (gather + scatter-add)
    msgs = val[:, None] * jnp.take(x, col, axis=0)
    x_neighbors_norm = jax.ops.segment_sum(msgs, row, num_segments=N)
    node_labels = jnp.concatenate((x, x_neighbors_norm), axis=-1)
    return node_labels

if __name__ == "__main__":
    import jax
    _d = setup_inputs()
    print(jax.jit(kernel)(*tuple(_d.values())))

</pallas_src>

<mosaic_0001>
#map = affine_map<(d0, d1) -> (0, 0)>
module attributes {stable_mosaic.version = 14 : i64} {
  func.func @_sc_degree(%arg0: i32, %arg1: i32, %arg2: memref<32x10240xi32, #tpu.memory_space<hbm>>, %arg3: memref<32x10240xf32, #tpu.memory_space<hbm>>, %arg4: memref<10240xi32, #tpu.memory_space<vmem>>, %arg5: memref<10240xf32, #tpu.memory_space<vmem>>) attributes {dimension_semantics = [#tpu.dimension_semantics<core_parallel>, #tpu.dimension_semantics<subcore_parallel>], iteration_bounds = array<i64: 2, 16>, scalar_prefetch = 0 : i64, scratch_operands = 2 : i64, tpu.core_type = #tpu.core_type<sc_vector_subcore>, window_params = [{transform_indices = #map}, {transform_indices = #map}]} {
    %mul3A = arith.constant 2 : i32
    %mul3A_0 = arith.muli %arg1, %mul3A : i32
    %add3A = arith.addi %mul3A_0, %arg0 : i32
    "tpu.region"() ({
      %run_scoped3A = tpu.sem_alloc : memref<!tpu.dma_semaphore, #tpu.memory_space<semaphore_mem>>
      %dma_start3A = arith.constant 0 : i32
      %dma_start3A_22 = tpu.memref_slice %arg2[%add3A, %dma_start3A] : memref<32x10240xi32, #tpu.memory_space<hbm>> -> memref<1x10240xi32, #tpu.memory_space<hbm>>
      %dma_start3A_23 = tpu.memref_squeeze %dma_start3A_22 : memref<1x10240xi32, #tpu.memory_space<hbm>> -> memref<10240xi32, #tpu.memory_space<hbm>>
      %dma_start3A_24 = arith.constant 0 : i32
      %dma_start3A_25 = tpu.memref_slice %arg2[%add3A, %dma_start3A_24] : memref<32x10240xi32, #tpu.memory_space<hbm>> -> memref<1x10240xi32, #tpu.memory_space<hbm>>
      %dma_start3A_26 = tpu.memref_squeeze %dma_start3A_25 : memref<1x10240xi32, #tpu.memory_space<hbm>> -> memref<10240xi32, #tpu.memory_space<hbm>>
      tpu.enqueue_dma source(%dma_start3A_26 : memref<10240xi32, #tpu.memory_space<hbm>>) target(%arg4 : memref<10240xi32, #tpu.memory_space<vmem>>) target_semaphore(%run_scoped3A : memref<!tpu.dma_semaphore, #tpu.memory_space<semaphore_mem>>)
      %dma_wait3A = arith.constant 0 : i32
      %dma_wait3A_27 = tpu.memref_slice %arg2[%add3A, %dma_wait3A] : memref<32x10240xi32, #tpu.memory_space<hbm>> -> memref<1x10240xi32, #tpu.memory_space<hbm>>
      %dma_wait3A_28 = tpu.memref_squeeze %dma_wait3A_27 : memref<1x10240xi32, #tpu.memory_space<hbm>> -> memref<10240xi32, #tpu.memory_space<hbm>>
      %dma_wait3A_29 = arith.constant 0 : i32
      %dma_wait3A_30 = tpu.memref_slice %arg2[%add3A, %dma_wait3A_29] : memref<32x10240xi32, #tpu.memory_space<hbm>> -> memref<1x10240xi32, #tpu.memory_space<hbm>>
      %dma_wait3A_31 = tpu.memref_squeeze %dma_wait3A_30 : memref<1x10240xi32, #tpu.memory_space<hbm>> -> memref<10240xi32, #tpu.memory_space<hbm>>
      tpu.wait_dma2 semaphore(%run_scoped3A : memref<!tpu.dma_semaphore, #tpu.memory_space<semaphore_mem>>) src(%dma_wait3A_31 : memref<10240xi32, #tpu.memory_space<hbm>>) dst(%arg4 : memref<10240xi32, #tpu.memory_space<vmem>>)
      tpu.yield
    }) : () -> ()
    %while3A = arith.constant 0 : i32
    %while3A_1 = arith.constant 0 : i32
    %while3A_2 = arith.constant 640 : i32
    %while3A_3 = arith.subi %while3A_2, %while3A_1 : i32
    %while3A_4 = arith.addi %while3A_1, %while3A_3 : i32
    %while3A_5 = arith.constant 1 : i32
    %while3A_6 = arith.divsi %while3A_3, %while3A_5 : i32
    %while3A_7 = arith.muli %while3A_6, %while3A_5 : i32
    %while3A_8 = arith.addi %while3A_1, %while3A_7 : i32
    %while3A_9 = arith.constant 1 : i32
    scf.for %while3A_22 = %while3A_1 to %while3A_8 step %while3A_9  : i32 {
      %broadcast_in_dim3A = arith.constant 0.000000e+00 : f32
      %broadcast_in_dim3A_23 = vector.broadcast %broadcast_in_dim3A : f32 to vector<16xf32>
      %mul3A_24 = arith.constant 16 : i32
      %mul3A_25 = arith.muli %while3A_22, %mul3A_24 : i32
      %swap3A = arith.index_cast %mul3A_25 : i32 to index
      %swap3A_26 = tpu.vector_load %arg5[%swap3A] {strides = array<i32>} : memref<10240xf32, #tpu.memory_space<vmem>>, vector<16xf32>,
      tpu.vector_store %arg5[%swap3A], %broadcast_in_dim3A_23 {strides = array<i32>} : memref<10240xf32, #tpu.memory_space<vmem>>, vector<16xf32>,
    }
    %while3A_10 = arith.constant 1 : i32
    scf.for %while3A_22 = %while3A_8 to %while3A_4 step %while3A_10  : i32 {
      %broadcast_in_dim3A = arith.constant 0.000000e+00 : f32
      %broadcast_in_dim3A_23 = vector.broadcast %broadcast_in_dim3A : f32 to vector<16xf32>
      %mul3A_24 = arith.constant 16 : i32
      %mul3A_25 = arith.muli %while3A_22, %mul3A_24 : i32
      %swap3A = arith.index_cast %mul3A_25 : i32 to index
      %swap3A_26 = tpu.vector_load %arg5[%swap3A] {strides = array<i32>} : memref<10240xf32, #tpu.memory_space<vmem>>, vector<16xf32>,
      tpu.vector_store %arg5[%swap3A], %broadcast_in_dim3A_23 {strides = array<i32>} : memref<10240xf32, #tpu.memory_space<vmem>>, vector<16xf32>,
    }
    %while3A_11 = arith.constant 0 : i32
    %while3A_12 = arith.constant 0 : i32
    %while3A_13 = arith.constant 640 : i32
    %while3A_14 = arith.subi %while3A_13, %while3A_12 : i32
    %while3A_15 = arith.addi %while3A_12, %while3A_14 : i32
    %while3A_16 = arith.constant 1 : i32
    %while3A_17 = arith.divsi %while3A_14, %while3A_16 : i32
    %while3A_18 = arith.muli %while3A_17, %while3A_16 : i32
    %while3A_19 = arith.addi %while3A_12, %while3A_18 : i32
    %while3A_20 = arith.constant 1 : i32
    scf.for %while3A_22 = %while3A_12 to %while3A_19 step %while3A_20  : i32 {
      %mul3A_23 = arith.constant 16 : i32
      %mul3A_24 = arith.muli %while3A_22, %mul3A_23 : i32
      %get3A = arith.index_cast %mul3A_24 : i32 to index
      %get3A_25 = tpu.vector_load %arg4[%get3A] {strides = array<i32>} : memref<10240xi32, #tpu.memory_space<vmem>>, vector<16xi32>,
      %broadcast_in_dim3A = arith.constant 1.000000e+00 : f32
      %broadcast_in_dim3A_26 = vector.broadcast %broadcast_in_dim3A : f32 to vector<16xf32>
      tpu.vector_store_idx %arg5[%get3A_25], %broadcast_in_dim3A_26 {add = true} : memref<10240xf32, #tpu.memory_space<vmem>>[vector<16xi32>], vector<16xf32>,
    }
    %while3A_21 = arith.constant 1 : i32
    scf.for %while3A_22 = %while3A_19 to %while3A_15 step %while3A_21  : i32 {
      %mul3A_23 = arith.constant 16 : i32
      %mul3A_24 = arith.muli %while3A_22, %mul3A_23 : i32
      %get3A = arith.index_cast %mul3A_24 : i32 to index
      %get3A_25 = tpu.vector_load %arg4[%get3A] {strides = array<i32>} : memref<10240xi32, #tpu.memory_space<vmem>>, vector<16xi32>,
      %broadcast_in_dim3A = arith.constant 1.000000e+00 : f32
      %broadcast_in_dim3A_26 = vector.broadcast %broadcast_in_dim3A : f32 to vector<16xf32>
      tpu.vector_store_idx %arg5[%get3A_25], %broadcast_in_dim3A_26 {add = true} : memref<10240xf32, #tpu.memory_space<vmem>>[vector<16xi32>], vector<16xf32>,
    }
    "tpu.region"() ({
      %run_scoped3A = tpu.sem_alloc : memref<!tpu.dma_semaphore, #tpu.memory_space<semaphore_mem>>
      %dma_start3A = arith.constant 0 : i32
      %dma_start3A_22 = tpu.memref_slice %arg3[%add3A, %dma_start3A] : memref<32x10240xf32, #tpu.memory_space<hbm>> -> memref<1x10240xf32, #tpu.memory_space<hbm>>
      %dma_start3A_23 = tpu.memref_squeeze %dma_start3A_22 : memref<1x10240xf32, #tpu.memory_space<hbm>> -> memref<10240xf32, #tpu.memory_space<hbm>>
      %dma_start3A_24 = arith.constant 0 : i32
      %dma_start3A_25 = tpu.memref_slice %arg3[%add3A, %dma_start3A_24] : memref<32x10240xf32, #tpu.memory_space<hbm>> -> memref<1x10240xf32, #tpu.memory_space<hbm>>
      %dma_start3A_26 = tpu.memref_squeeze %dma_start3A_25 : memref<1x10240xf32, #tpu.memory_space<hbm>> -> memref<10240xf32, #tpu.memory_space<hbm>>
      tpu.enqueue_dma source(%arg5 : memref<10240xf32, #tpu.memory_space<vmem>>) target(%dma_start3A_26 : memref<10240xf32, #tpu.memory_space<hbm>>) target_semaphore(%run_scoped3A : memref<!tpu.dma_semaphore, #tpu.memory_space<semaphore_mem>>)
      %dma_wait3A = arith.constant 0 : i32
      %dma_wait3A_27 = tpu.memref_slice %arg3[%add3A, %dma_wait3A] : memref<32x10240xf32, #tpu.memory_space<hbm>> -> memref<1x10240xf32, #tpu.memory_space<hbm>>
      %dma_wait3A_28 = tpu.memref_squeeze %dma_wait3A_27 : memref<1x10240xf32, #tpu.memory_space<hbm>> -> memref<10240xf32, #tpu.memory_space<hbm>>
      %dma_wait3A_29 = arith.constant 0 : i32
      %dma_wait3A_30 = tpu.memref_slice %arg3[%add3A, %dma_wait3A_29] : memref<32x10240xf32, #tpu.memory_space<hbm>> -> memref<1x10240xf32, #tpu.memory_space<hbm>>
      %dma_wait3A_31 = tpu.memref_squeeze %dma_wait3A_30 : memref<1x10240xf32, #tpu.memory_space<hbm>> -> memref<10240xf32, #tpu.memory_space<hbm>>
      tpu.wait_dma2 semaphore(%run_scoped3A : memref<!tpu.dma_semaphore, #tpu.memory_space<semaphore_mem>>) src(%arg5 : memref<10240xf32, #tpu.memory_space<vmem>>) dst(%dma_wait3A_31 : memref<10240xf32, #tpu.memory_space<hbm>>)
      tpu.yield
    }) : () -> ()
    return
  }
}

#map = affine_map<(d0, d1) -> (0, 0)>
#map1 = affine_map<(d0, d1) -> (0, 0, 0)>
module attributes {stable_mosaic.version = 14 : i64} {
  func.func @_sc_aggregate(%arg0: i32, %arg1: i32, %arg2: memref<10000x128xf32, #tpu.memory_space<hbm>>, %arg3: memref<32x10240xi32, #tpu.memory_space<hbm>>, %arg4: memref<32x10240xi32, #tpu.memory_space<hbm>>, %arg5: memref<640x128xf32, #tpu.memory_space<hbm>>, %arg6: memref<2x10240x128xf32, #tpu.memory_space<hbm>>, %arg7: memref<10240xi32, #tpu.memory_space<vmem>>, %arg8: memref<64xi32, #tpu.memory_space<vmem>>, %arg9: memref<64xi32, #tpu.memory_space<vmem>>, %arg10: memref<64xi32, #tpu.memory_space<vmem>>, %arg11: memref<64xi32, #tpu.memory_space<vmem>>, %arg12: memref<64x128xf32, #tpu.memory_space<vmem>>, %arg13: memref<64x128xf32, #tpu.memory_space<vmem>>, %arg14: memref<64x128xf32, #tpu.memory_space<vmem>>, %arg15: memref<64x128xf32, #tpu.memory_space<vmem>>, %arg16: memref<10240x128xf32, #tpu.memory_space<vmem_shared>>, %arg17: memref<!tpu.dma_semaphore, #tpu.memory_space<semaphore_mem>>, %arg18: memref<!tpu.dma_semaphore, #tpu.memory_space<semaphore_mem>>, %arg19: memref<!tpu.dma_semaphore, #tpu.memory_space<semaphore_mem>>, %arg20: memref<!tpu.dma_semaphore, #tpu.memory_space<semaphore_mem>>, %arg21: memref<!tpu.dma_semaphore, #tpu.memory_space<semaphore_mem>>, %arg22: memref<!tpu.dma_semaphore, #tpu.memory_space<semaphore_mem>>, %arg23: memref<!tpu.dma_semaphore, #tpu.memory_space<semaphore_mem>>, %arg24: memref<!tpu.dma_semaphore, #tpu.memory_space<semaphore_mem>>) attributes {dimension_semantics = [#tpu.dimension_semantics<core_parallel>, #tpu.dimension_semantics<subcore_parallel>], iteration_bounds = array<i64: 2, 16>, scalar_prefetch = 0 : i64, scratch_operands = 18 : i64, tpu.core_type = #tpu.core_type<sc_vector_subcore>, window_params = [{transform_indices = #map}, {transform_indices = #map}, {transform_indices = #map}, {transform_indices = #map}, {transform_indices = #map1}]} {
    %mul3A = arith.constant 2 : i32
    %mul3A_0 = arith.muli %arg1, %mul3A : i32
    %add3A = arith.addi %mul3A_0, %arg0 : i32
    %mul3A_1 = arith.constant 640 : i32
    %mul3A_2 = arith.muli %arg1, %mul3A_1 : i32
    "tpu.region"() ({
      %run_scoped3A = tpu.sem_alloc : memref<!tpu.dma_semaphore, #tpu.memory_space<semaphore_mem>>
      %dma_start3A_69 = arith.constant 0 : i32
      %dma_start3A_70 = tpu.memref_slice %arg16[%mul3A_2, %dma_start3A_69] : memref<10240x128xf32, #tpu.memory_space<vmem_shared>> -> memref<640x128xf32, #tpu.memory_space<vmem_shared>>
      tpu.enqueue_dma source(%arg5 : memref<640x128xf32, #tpu.memory_space<hbm>>) target(%dma_start3A_70 : memref<640x128xf32, #tpu.memory_space<vmem_shared>>) target_semaphore(%run_scoped3A : memref<!tpu.dma_semaphore, #tpu.memory_space<semaphore_mem>>)
      %dma_wait3A = arith.constant 0 : i32
      %dma_wait3A_71 = tpu.memref_slice %arg16[%mul3A_2, %dma_wait3A] : memref<10240x128xf32, #tpu.memory_space<vmem_shared>> -> memref<640x128xf32, #tpu.memory_space<vmem_shared>>
      tpu.wait_dma2 semaphore(%run_scoped3A : memref<!tpu.dma_semaphore, #tpu.memory_space<semaphore_mem>>) src(%arg5 : memref<640x128xf32, #tpu.memory_space<hbm>>) dst(%dma_wait3A_71 : memref<640x128xf32, #tpu.memory_space<vmem_shared>>)
      tpu.yield
    }) : () -> ()
    "tpu.region"() ({
      %run_scoped3A = tpu.sem_alloc : memref<!tpu.dma_semaphore, #tpu.memory_space<semaphore_mem>>
      %dma_start3A_69 = arith.constant 0 : i32
      %dma_start3A_70 = tpu.memref_slice %arg4[%add3A, %dma_start3A_69] : memref<32x10240xi32, #tpu.memory_space<hbm>> -> memref<1x10240xi32, #tpu.memory_space<hbm>>
      %dma_start3A_71 = tpu.memref_squeeze %dma_start3A_70 : memref<1x10240xi32, #tpu.memory_space<hbm>> -> memref<10240xi32, #tpu.memory_space<hbm>>
      %dma_start3A_72 = arith.constant 0 : i32
      %dma_start3A_73 = tpu.memref_slice %arg4[%add3A, %dma_start3A_72] : memref<32x10240xi32, #tpu.memory_space<hbm>> -> memref<1x10240xi32, #tpu.memory_space<hbm>>
      %dma_start3A_74 = tpu.memref_squeeze %dma_start3A_73 : memref<1x10240xi32, #tpu.memory_space<hbm>> -> memref<10240xi32, #tpu.memory_space<hbm>>
      tpu.enqueue_dma source(%dma_start3A_74 : memref<10240xi32, #tpu.memory_space<hbm>>) target(%arg7 : memref<10240xi32, #tpu.memory_space<vmem>>) target_semaphore(%run_scoped3A : memref<!tpu.dma_semaphore, #tpu.memory_space<semaphore_mem>>)
      %dma_wait3A = arith.constant 0 : i32
      %dma_wait3A_75 = tpu.memref_slice %arg4[%add3A, %dma_wait3A] : memref<32x10240xi32, #tpu.memory_space<hbm>> -> memref<1x10240xi32, #tpu.memory_space<hbm>>
      %dma_wait3A_76 = tpu.memref_squeeze %dma_wait3A_75 : memref<1x10240xi32, #tpu.memory_space<hbm>> -> memref<10240xi32, #tpu.memory_space<hbm>>
      %dma_wait3A_77 = arith.constant 0 : i32
      %dma_wait3A_78 = tpu.memref_slice %arg4[%add3A, %dma_wait3A_77] : memref<32x10240xi32, #tpu.memory_space<hbm>> -> memref<1x10240xi32, #tpu.memory_space<hbm>>
      %dma_wait3A_79 = tpu.memref_squeeze %dma_wait3A_78 : memref<1x10240xi32, #tpu.memory_space<hbm>> -> memref<10240xi32, #tpu.memory_space<hbm>>
      tpu.wait_dma2 semaphore(%run_scoped3A : memref<!tpu.dma_semaphore, #tpu.memory_space<semaphore_mem>>) src(%dma_wait3A_79 : memref<10240xi32, #tpu.memory_space<hbm>>) dst(%arg7 : memref<10240xi32, #tpu.memory_space<vmem>>)
      tpu.yield
    }) : () -> ()
    %barrier3A = arith.constant 0 : index
    tpu.barrier barrier_id(%barrier3A)
    %mul3A_3 = arith.constant 0 : i32
    %mul3A_4 = arith.constant 64 : i32
    %mul3A_5 = arith.muli %mul3A_3, %mul3A_4 : i32
    %dma_start3A = tpu.memref_slice %arg3[%add3A, %mul3A_5] : memref<32x10240xi32, #tpu.memory_space<hbm>> -> memref<1x64xi32, #tpu.memory_space<hbm>>
    %dma_start3A_6 = tpu.memref_squeeze %dma_start3A : memref<1x64xi32, #tpu.memory_space<hbm>> -> memref<64xi32, #tpu.memory_space<hbm>>
    %dma_start3A_7 = tpu.memref_slice %arg3[%add3A, %mul3A_5] : memref<32x10240xi32, #tpu.memory_space<hbm>> -> memref<1x64xi32, #tpu.memory_space<hbm>>
    %dma_start3A_8 = tpu.memref_squeeze %dma_start3A_7 : memref<1x64xi32, #tpu.memory_space<hbm>> -> memref<64xi32, #tpu.memory_space<hbm>>
    tpu.enqueue_dma source(%dma_start3A_8 : memref<64xi32, #tpu.memory_space<hbm>>) target(%arg8 : memref<64xi32, #tpu.memory_space<vmem>>) target_semaphore(%arg17 : memref<!tpu.dma_semaphore, #tpu.memory_space<semaphore_mem>>)
    %mul3A_9 = arith.constant 0 : i32
    %mul3A_10 = arith.constant 64 : i32
    %mul3A_11 = arith.muli %mul3A_9, %mul3A_10 : i32
    %dma_start3A_12 = tpu.memref_slice %arg7[%mul3A_11] : memref<10240xi32, #tpu.memory_space<vmem>> -> memref<64xi32, #tpu.memory_space<vmem>>
    %dma_start3A_13 = arith.constant 0 : i32
    %dma_start3A_14 = arith.constant 0 : i32
    %dma_start3A_15 = tpu.memref_slice %arg2[%dma_start3A_13, %dma_start3A_14] : memref<10000x128xf32, #tpu.memory_space<hbm>> -> memref<10000x128xf32, #tpu.memory_space<hbm>>
    tpu.enqueue_indirect_dma source(%dma_start3A_15 : memref<10000x128xf32, #tpu.memory_space<hbm>>) target(%arg12 : memref<64x128xf32, #tpu.memory_space<vmem>>) offsets(%dma_start3A_12 : memref<64xi32, #tpu.memory_space<vmem>>) semaphore(%arg21 : memref<!tpu.dma_semaphore, #tpu.memory_space<semaphore_mem>>)
    %mul3A_16 = arith.constant 1 : i32
    %mul3A_17 = arith.constant 64 : i32
    %mul3A_18 = arith.muli %mul3A_16, %mul3A_17 : i32
    %dma_start3A_19 = tpu.memref_slice %arg3[%add3A, %mul3A_18] : memref<32x10240xi32, #tpu.memory_space<hbm>> -> memref<1x64xi32, #tpu.memory_space<hbm>>
    %dma_start3A_20 = tpu.memref_squeeze %dma_start3A_19 : memref<1x64xi32, #tpu.memory_space<hbm>> -> memref<64xi32, #tpu.memory_space<hbm>>
    %dma_start3A_21 = tpu.memref_slice %arg3[%add3A, %mul3A_18] : memref<32x10240xi32, #tpu.memory_space<hbm>> -> memref<1x64xi32, #tpu.memory_space<hbm>>
    %dma_start3A_22 = tpu.memref_squeeze %dma_start3A_21 : memref<1x64xi32, #tpu.memory_space<hbm>> -> memref<64xi32, #tpu.memory_space<hbm>>
    tpu.enqueue_dma source(%dma_start3A_22 : memref<64xi32, #tpu.memory_space<hbm>>) target(%arg9 : memref<64xi32, #tpu.memory_space<vmem>>) target_semaphore(%arg18 : memref<!tpu.dma_semaphore, #tpu.memory_space<semaphore_mem>>)
    %mul3A_23 = arith.constant 1 : i32
    %mul3A_24 = arith.constant 64 : i32
    %mul3A_25 = arith.muli %mul3A_23, %mul3A_24 : i32
    %dma_start3A_26 = tpu.memref_slice %arg7[%mul3A_25] : memref<10240xi32, #tpu.memory_space<vmem>> -> memref<64xi32, #tpu.memory_space<vmem>>
    %dma_start3A_27 = arith.constant 0 : i32
    %dma_start3A_28 = arith.constant 0 : i32
    %dma_start3A_29 = tpu.memref_slice %arg2[%dma_start3A_27, %dma_start3A_28] : memref<10000x128xf32, #tpu.memory_space<hbm>> -> memref<10000x128xf32, #tpu.memory_space<hbm>>
    tpu.enqueue_indirect_dma source(%dma_start3A_29 : memref<10000x128xf32, #tpu.memory_space<hbm>>) target(%arg13 : memref<64x128xf32, #tpu.memory_space<vmem>>) offsets(%dma_start3A_26 : memref<64xi32, #tpu.memory_space<vmem>>) semaphore(%arg22 : memref<!tpu.dma_semaphore, #tpu.memory_space<semaphore_mem>>)
    %mul3A_30 = arith.constant 2 : i32
    %mul3A_31 = arith.constant 64 : i32
    %mul3A_32 = arith.muli %mul3A_30, %mul3A_31 : i32
    %dma_start3A_33 = tpu.memref_slice %arg3[%add3A, %mul3A_32] : memref<32x10240xi32, #tpu.memory_space<hbm>> -> memref<1x64xi32, #tpu.memory_space<hbm>>
    %dma_start3A_34 = tpu.memref_squeeze %dma_start3A_33 : memref<1x64xi32, #tpu.memory_space<hbm>> -> memref<64xi32, #tpu.memory_space<hbm>>
    %dma_start3A_35 = tpu.memref_slice %arg3[%add3A, %mul3A_32] : memref<32x10240xi32, #tpu.memory_space<hbm>> -> memref<1x64xi32, #tpu.memory_space<hbm>>
    %dma_start3A_36 = tpu.memref_squeeze %dma_start3A_35 : memref<1x64xi32, #tpu.memory_space<hbm>> -> memref<64xi32, #tpu.memory_space<hbm>>
    tpu.enqueue_dma source(%dma_start3A_36 : memref<64xi32, #tpu.memory_space<hbm>>) target(%arg10 : memref<64xi32, #tpu.memory_space<vmem>>) target_semaphore(%arg19 : memref<!tpu.dma_semaphore, #tpu.memory_space<semaphore_mem>>)
    %mul3A_37 = arith.constant 2 : i32
    %mul3A_38 = arith.constant 64 : i32
    %mul3A_39 = arith.muli %mul3A_37, %mul3A_38 : i32
    %dma_start3A_40 = tpu.memref_slice %arg7[%mul3A_39] : memref<10240xi32, #tpu.memory_space<vmem>> -> memref<64xi32, #tpu.memory_space<vmem>>
    %dma_start3A_41 = arith.constant 0 : i32
    %dma_start3A_42 = arith.constant 0 : i32
    %dma_start3A_43 = tpu.memref_slice %arg2[%dma_start3A_41, %dma_start3A_42] : memref<10000x128xf32, #tpu.memory_space<hbm>> -> memref<10000x128xf32, #tpu.memory_space<hbm>>
    tpu.enqueue_indirect_dma source(%dma_start3A_43 : memref<10000x128xf32, #tpu.memory_space<hbm>>) target(%arg14 : memref<64x128xf32, #tpu.memory_space<vmem>>) offsets(%dma_start3A_40 : memref<64xi32, #tpu.memory_space<vmem>>) semaphore(%arg23 : memref<!tpu.dma_semaphore, #tpu.memory_space<semaphore_mem>>)
    %mul3A_44 = arith.constant 3 : i32
    %mul3A_45 = arith.constant 64 : i32
    %mul3A_46 = arith.muli %mul3A_44, %mul3A_45 : i32
    %dma_start3A_47 = tpu.memref_slice %arg3[%add3A, %mul3A_46] : memref<32x10240xi32, #tpu.memory_space<hbm>> -> memref<1x64xi32, #tpu.memory_space<hbm>>
    %dma_start3A_48 = tpu.memref_squeeze %dma_start3A_47 : memref<1x64xi32, #tpu.memory_space<hbm>> -> memref<64xi32, #tpu.memory_space<hbm>>
    %dma_start3A_49 = tpu.memref_slice %arg3[%add3A, %mul3A_46] : memref<32x10240xi32, #tpu.memory_space<hbm>> -> memref<1x64xi32, #tpu.memory_space<hbm>>
    %dma_start3A_50 = tpu.memref_squeeze %dma_start3A_49 : memref<1x64xi32, #tpu.memory_space<hbm>> -> memref<64xi32, #tpu.memory_space<hbm>>
    tpu.enqueue_dma source(%dma_start3A_50 : memref<64xi32, #tpu.memory_space<hbm>>) target(%arg11 : memref<64xi32, #tpu.memory_space<vmem>>) target_semaphore(%arg20 : memref<!tpu.dma_semaphore, #tpu.memory_space<semaphore_mem>>)
    %mul3A_51 = arith.constant 3 : i32
    %mul3A_52 = arith.constant 64 : i32
    %mul3A_53 = arith.muli %mul3A_51, %mul3A_52 : i32
    %dma_start3A_54 = tpu.memref_slice %arg7[%mul3A_53] : memref<10240xi32, #tpu.memory_space<vmem>> -> memref<64xi32, #tpu.memory_space<vmem>>
    %dma_start3A_55 = arith.constant 0 : i32
    %dma_start3A_56 = arith.constant 0 : i32
    %dma_start3A_57 = tpu.memref_slice %arg2[%dma_start3A_55, %dma_start3A_56] : memref<10000x128xf32, #tpu.memory_space<hbm>> -> memref<10000x128xf32, #tpu.memory_space<hbm>>
    tpu.enqueue_indirect_dma source(%dma_start3A_57 : memref<10000x128xf32, #tpu.memory_space<hbm>>) target(%arg15 : memref<64x128xf32, #tpu.memory_space<vmem>>) offsets(%dma_start3A_54 : memref<64xi32, #tpu.memory_space<vmem>>) semaphore(%arg24 : memref<!tpu.dma_semaphore, #tpu.memory_space<semaphore_mem>>)
    %while3A = arith.constant 0 : i32
    %while3A_58 = arith.constant 0 : i32
    %while3A_59 = arith.constant 40 : i32
    %while3A_60 = arith.subi %while3A_59, %while3A_58 : i32
    %while3A_61 = arith.addi %while3A_58, %while3A_60 : i32
    %while3A_62 = arith.constant 1 : i32
    %while3A_63 = arith.divsi %while3A_60, %while3A_62 : i32
    %while3A_64 = arith.muli %while3A_63, %while3A_62 : i32
    %while3A_65 = arith.addi %while3A_58, %while3A_64 : i32
    %while3A_66 = arith.constant 1 : i32
    scf.for %while3A_69 = %while3A_58 to %while3A_65 step %while3A_66  : i32 {
      %mul3A_70 = arith.constant 4 : i32
      %mul3A_71 = arith.muli %while3A_69, %mul3A_70 : i32
      %add3A_72 = arith.constant 0 : i32
      %add3A_73 = arith.addi %mul3A_71, %add3A_72 : i32
      %mul3A_74 = arith.constant 64 : i32
      %mul3A_75 = arith.muli %add3A_73, %mul3A_74 : i32
      %dma_wait3A = tpu.memref_slice %arg7[%mul3A_75] : memref<10240xi32, #tpu.memory_space<vmem>> -> memref<64xi32, #tpu.memory_space<vmem>>
      %dma_wait3A_76 = arith.constant 0 : i32
      %dma_wait3A_77 = arith.constant 0 : i32
      %dma_wait3A_78 = tpu.memref_slice %arg2[%dma_wait3A_76, %dma_wait3A_77] : memref<10000x128xf32, #tpu.memory_space<hbm>> -> memref<10000x128xf32, #tpu.memory_space<hbm>>
      tpu.wait_indirect_dma semaphore(%arg21 : memref<!tpu.dma_semaphore, #tpu.memory_space<semaphore_mem>>) src(%dma_wait3A_78 : memref<10000x128xf32, #tpu.memory_space<hbm>>) dst(%arg12 : memref<64x128xf32, #tpu.memory_space<vmem>>)
      %mul3A_79 = arith.constant 64 : i32
      %mul3A_80 = arith.muli %add3A_73, %mul3A_79 : i32
      %dma_wait3A_81 = tpu.memref_slice %arg3[%add3A, %mul3A_80] : memref<32x10240xi32, #tpu.memory_space<hbm>> -> memref<1x64xi32, #tpu.memory_space<hbm>>
      %dma_wait3A_82 = tpu.memref_squeeze %dma_wait3A_81 : memref<1x64xi32, #tpu.memory_space<hbm>> -> memref<64xi32, #tpu.memory_space<hbm>>
      %dma_wait3A_83 = tpu.memref_slice %arg3[%add3A, %mul3A_80] : memref<32x10240xi32, #tpu.memory_space<hbm>> -> memref<1x64xi32, #tpu.memory_space<hbm>>
      %dma_wait3A_84 = tpu.memref_squeeze %dma_wait3A_83 : memref<1x64xi32, #tpu.memory_space<hbm>> -> memref<64xi32, #tpu.memory_space<hbm>>
      tpu.wait_dma2 semaphore(%arg17 : memref<!tpu.dma_semaphore, #tpu.memory_space<semaphore_mem>>) src(%dma_wait3A_84 : memref<64xi32, #tpu.memory_space<hbm>>) dst(%arg8 : memref<64xi32, #tpu.memory_space<vmem>>)
      "tpu.region"() ({
        %run_scoped3A = tpu.sem_alloc : memref<!tpu.dma_semaphore, #tpu.memory_space<semaphore_mem>>
        %dma_start3A_152 = arith.constant 0 : i32
        %dma_start3A_153 = arith.constant 0 : i32
        %dma_start3A_154 = tpu.memref_slice %arg16[%dma_start3A_152, %dma_start3A_153] : memref<10240x128xf32, #tpu.memory_space<vmem_shared>> -> memref<10240x128xf32, #tpu.memory_space<vmem_shared>>
        tpu.enqueue_indirect_dma source(%arg12 : memref<64x128xf32, #tpu.memory_space<vmem>>) target(%dma_start3A_154 : memref<10240x128xf32, #tpu.memory_space<vmem_shared>>) offsets(%arg8 : memref<64xi32, #tpu.memory_space<vmem>>) semaphore(%run_scoped3A : memref<!tpu.dma_semaphore, #tpu.memory_space<semaphore_mem>>) {add = true}
        %dma_wait3A_155 = arith.constant 0 : i32
        %dma_wait3A_156 = arith.constant 0 : i32
        %dma_wait3A_157 = tpu.memref_slice %arg16[%dma_wait3A_155, %dma_wait3A_156] : memref<10240x128xf32, #tpu.memory_space<vmem_shared>> -> memref<10240x128xf32, #tpu.memory_space<vmem_shared>>
        tpu.wait_indirect_dma semaphore(%run_scoped3A : memref<!tpu.dma_semaphore, #tpu.memory_space<semaphore_mem>>) src(%arg12 : memref<64x128xf32, #tpu.memory_space<vmem>>) dst(%dma_wait3A_157 : memref<10240x128xf32, #tpu.memory_space<vmem_shared>>)
        tpu.yield
      }) : () -> ()
      %add3A_85 = arith.constant 4 : i32
      %add3A_86 = arith.addi %add3A_73, %add3A_85 : i32
      %lt3A = arith.constant 160 : i32
      %lt3A_87 = arith.cmpi slt, %add3A_86, %lt3A : i32
      %convert_element_type3A = arith.extui %lt3A_87 : i1 to i32
      %cond3A = arith.constant 0 : i32
      %cond3A_88 = arith.cmpi ne, %convert_element_type3A, %cond3A : i32
      scf.if %cond3A_88 {
        %add3A_152 = arith.constant 4 : i32
        %add3A_153 = arith.addi %add3A_73, %add3A_152 : i32
        %mul3A_154 = arith.constant 64 : i32
        %mul3A_155 = arith.muli %add3A_153, %mul3A_154 : i32
        %dma_start3A_156 = tpu.memref_slice %arg3[%add3A, %mul3A_155] : memref<32x10240xi32, #tpu.memory_space<hbm>> -> memref<1x64xi32, #tpu.memory_space<hbm>>
        %dma_start3A_157 = tpu.memref_squeeze %dma_start3A_156 : memref<1x64xi32, #tpu.memory_space<hbm>> -> memref<64xi32, #tpu.memory_space<hbm>>
        %dma_start3A_158 = tpu.memref_slice %arg3[%add3A, %mul3A_155] : memref<32x10240xi32, #tpu.memory_space<hbm>> -> memref<1x64xi32, #tpu.memory_space<hbm>>
        %dma_start3A_159 = tpu.memref_squeeze %dma_start3A_158 : memref<1x64xi32, #tpu.memory_space<hbm>> -> memref<64xi32, #tpu.memory_space<hbm>>
        tpu.enqueue_dma source(%dma_start3A_159 : memref<64xi32, #tpu.memory_space<hbm>>) target(%arg8 : memref<64xi32, #tpu.memory_space<vmem>>) target_semaphore(%arg17 : memref<!tpu.dma_semaphore, #tpu.memory_space<semaphore_mem>>)
        %add3A_160 = arith.constant 4 : i32
        %add3A_161 = arith.addi %add3A_73, %add3A_160 : i32
        %mul3A_162 = arith.constant 64 : i32
        %mul3A_163 = arith.muli %add3A_161, %mul3A_162 : i32
        %dma_start3A_164 = tpu.memref_slice %arg7[%mul3A_163] : memref<10240xi32, #tpu.memory_space<vmem>> -> memref<64xi32, #tpu.memory_space<vmem>>
        %dma_start3A_165 = arith.constant 0 : i32
        %dma_start3A_166 = arith.constant 0 : i32
        %dma_start3A_167 = tpu.memref_slice %arg2[%dma_start3A_165, %dma_start3A_166] : memref<10000x128xf32, #tpu.memory_space<hbm>> -> memref<10000x128xf32, #tpu.memory_space<hbm>>
        tpu.enqueue_indirect_dma source(%dma_start3A_167 : memref<10000x128xf32, #tpu.memory_space<hbm>>) target(%arg12 : memref<64x128xf32, #tpu.memory_space<vmem>>) offsets(%dma_start3A_164 : memref<64xi32, #tpu.memory_space<vmem>>) semaphore(%arg21 : memref<!tpu.dma_semaphore, #tpu.memory_space<semaphore_mem>>)
      } else {
      }
      %add3A_89 = arith.constant 1 : i32
      %add3A_90 = arith.addi %mul3A_71, %add3A_89 : i32
      %mul3A_91 = arith.constant 64 : i32
      %mul3A_92 = arith.muli %add3A_90, %mul3A_91 : i32
      %dma_wait3A_93 = tpu.memref_slice %arg7[%mul3A_92] : memref<10240xi32, #tpu.memory_space<vmem>> -> memref<64xi32, #tpu.memory_space<vmem>>
      %dma_wait3A_94 = arith.constant 0 : i32
      %dma_wait3A_95 = arith.constant 0 : i32
      %dma_wait3A_96 = tpu.memref_slice %arg2[%dma_wait3A_94, %dma_wait3A_95] : memref<10000x128xf32, #tpu.memory_space<hbm>> -> memref<10000x128xf32, #tpu.memory_space<hbm>>
      tpu.wait_indirect_dma semaphore(%arg22 : memref<!tpu.dma_semaphore, #tpu.memory_space<semaphore_mem>>) src(%dma_wait3A_96 : memref<10000x128xf32, #tpu.memory_space<hbm>>) dst(%arg13 : memref<64x128xf32, #tpu.memory_space<vmem>>)
      %mul3A_97 = arith.constant 64 : i32
      %mul3A_98 = arith.muli %add3A_90, %mul3A_97 : i32
      %dma_wait3A_99 = tpu.memref_slice %arg3[%add3A, %mul3A_98] : memref<32x10240xi32, #tpu.memory_space<hbm>> -> memref<1x64xi32, #tpu.memory_space<hbm>>
      %dma_wait3A_100 = tpu.memref_squeeze %dma_wait3A_99 : memref<1x64xi32, #tpu.memory_space<hbm>> -> memref<64xi32, #tpu.memory_space<hbm>>
      %dma_wait3A_101 = tpu.memref_slice %arg3[%add3A, %mul3A_98] : memref<32x10240xi32, #tpu.memory_space<hbm>> -> memref<1x64xi32, #tpu.memory_space<hbm>>
      %dma_wait3A_102 = tpu.memref_squeeze %dma_wait3A_101 : memref<1x64xi32, #tpu.memory_space<hbm>> -> memref<64xi32, #tpu.memory_space<hbm>>
      tpu.wait_dma2 semaphore(%arg18 : memref<!tpu.dma_semaphore, #tpu.memory_space<semaphore_mem>>) src(%dma_wait3A_102 : memref<64xi32, #tpu.memory_space<hbm>>) dst(%arg9 : memref<64xi32, #tpu.memory_space<vmem>>)
      "tpu.region"() ({
        %run_scoped3A = tpu.sem_alloc : memref<!tpu.dma_semaphore, #tpu.memory_space<semaphore_mem>>
        %dma_start3A_152 = arith.constant 0 : i32
        %dma_start3A_153 = arith.constant 0 : i32
        %dma_start3A_154 = tpu.memref_slice %arg16[%dma_start3A_152, %dma_start3A_153] : memref<10240x128xf32, #tpu.memory_space<vmem_shared>> -> memref<10240x128xf32, #tpu.memory_space<vmem_shared>>
        tpu.enqueue_indirect_dma source(%arg13 : memref<64x128xf32, #tpu.memory_space<vmem>>) target(%dma_start3A_154 : memref<10240x128xf32, #tpu.memory_space<vmem_shared>>) offsets(%arg9 : memref<64xi32, #tpu.memory_space<vmem>>) semaphore(%run_scoped3A : memref<!tpu.dma_semaphore, #tpu.memory_space<semaphore_mem>>) {add = true}
        %dma_wait3A_155 = arith.constant 0 : i32
        %dma_wait3A_156 = arith.constant 0 : i32
        %dma_wait3A_157 = tpu.memref_slice %arg16[%dma_wait3A_155, %dma_wait3A_156] : memref<10240x128xf32, #tpu.memory_space<vmem_shared>> -> memref<10240x128xf32, #tpu.memory_space<vmem_shared>>
        tpu.wait_indirect_dma semaphore(%run_scoped3A : memref<!tpu.dma_semaphore, #tpu.memory_space<semaphore_mem>>) src(%arg13 : memref<64x128xf32, #tpu.memory_space<vmem>>) dst(%dma_wait3A_157 : memref<10240x128xf32, #tpu.memory_space<vmem_shared>>)
        tpu.yield
      }) : () -> ()
      %add3A_103 = arith.constant 4 : i32
      %add3A_104 = arith.addi %add3A_90, %add3A_103 : i32
      %lt3A_105 = arith.constant 160 : i32
      %lt3A_106 = arith.cmpi slt, %add3A_104, %lt3A_105 : i32
      %convert_element_type3A_107 = arith.extui %lt3A_106 : i1 to i32
      %cond3A_108 = arith.constant 0 : i32
      %cond3A_109 = arith.cmpi ne, %convert_element_type3A_107, %cond3A_108 : i32
      scf.if %cond3A_109 {
        %add3A_152 = arith.constant 4 : i32
        %add3A_153 = arith.addi %add3A_90, %add3A_152 : i32
        %mul3A_154 = arith.constant 64 : i32
        %mul3A_155 = arith.muli %add3A_153, %mul3A_154 : i32
        %dma_start3A_156 = tpu.memref_slice %arg3[%add3A, %mul3A_155] : memref<32x10240xi32, #tpu.memory_space<hbm>> -> memref<1x64xi32, #tpu.memory_space<hbm>>
        %dma_start3A_157 = tpu.memref_squeeze %dma_start3A_156 : memref<1x64xi32, #tpu.memory_space<hbm>> -> memref<64xi32, #tpu.memory_space<hbm>>
        %dma_start3A_158 = tpu.memref_slice %arg3[%add3A, %mul3A_155] : memref<32x10240xi32, #tpu.memory_space<hbm>> -> memref<1x64xi32, #tpu.memory_space<hbm>>
        %dma_start3A_159 = tpu.memref_squeeze %dma_start3A_158 : memref<1x64xi32, #tpu.memory_space<hbm>> -> memref<64xi32, #tpu.memory_space<hbm>>
        tpu.enqueue_dma source(%dma_start3A_159 : memref<64xi32, #tpu.memory_space<hbm>>) target(%arg9 : memref<64xi32, #tpu.memory_space<vmem>>) target_semaphore(%arg18 : memref<!tpu.dma_semaphore, #tpu.memory_space<semaphore_mem>>)
        %add3A_160 = arith.constant 4 : i32
        %add3A_161 = arith.addi %add3A_90, %add3A_160 : i32
        %mul3A_162 = arith.constant 64 : i32
        %mul3A_163 = arith.muli %add3A_161, %mul3A_162 : i32
        %dma_start3A_164 = tpu.memref_slice %arg7[%mul3A_163] : memref<10240xi32, #tpu.memory_space<vmem>> -> memref<64xi32, #tpu.memory_space<vmem>>
        %dma_start3A_165 = arith.constant 0 : i32
        %dma_start3A_166 = arith.constant 0 : i32
        %dma_start3A_167 = tpu.memref_slice %arg2[%dma_start3A_165, %dma_start3A_166] : memref<10000x128xf32, #tpu.memory_space<hbm>> -> memref<10000x128xf32, #tpu.memory_space<hbm>>
        tpu.enqueue_indirect_dma source(%dma_start3A_167 : memref<10000x128xf32, #tpu.memory_space<hbm>>) target(%arg13 : memref<64x128xf32, #tpu.memory_space<vmem>>) offsets(%dma_start3A_164 : memref<64xi32, #tpu.memory_space<vmem>>) semaphore(%arg22 : memref<!tpu.dma_semaphore, #tpu.memory_space<semaphore_mem>>)
      } else {
      }
      %add3A_110 = arith.constant 2 : i32
      %add3A_111 = arith.addi %mul3A_71, %add3A_110 : i32
      %mul3A_112 = arith.constant 64 : i32
      %mul3A_113 = arith.muli %add3A_111, %mul3A_112 : i32
      %dma_wait3A_114 = tpu.memref_slice %arg7[%mul3A_113] : memref<10240xi32, #tpu.memory_space<vmem>> -> memref<64xi32, #tpu.memory_space<vmem>>
      %dma_wait3A_115 = arith.constant 0 : i32
      %dma_wait3A_116 = arith.constant 0 : i32
      %dma_wait3A_117 = tpu.memref_slice %arg2[%dma_wait3A_115, %dma_wait3A_116] : memref<10000x128xf32, #tpu.memory_space<hbm>> -> memref<10000x128xf32, #tpu.memory_space<hbm>>
      tpu.wait_indirect_dma semaphore(%arg23 : memref<!tpu.dma_semaphore, #tpu.memory_space<semaphore_mem>>) src(%dma_wait3A_117 : memref<10000x128xf32, #tpu.memory_space<hbm>>) dst(%arg14 : memref<64x128xf32, #tpu.memory_space<vmem>>)
      %mul3A_118 = arith.constant 64 : i32
      %mul3A_119 = arith.muli %add3A_111, %mul3A_118 : i32
      %dma_wait3A_120 = tpu.memref_slice %arg3[%add3A, %mul3A_119] : memref<32x10240xi32, #tpu.memory_space<hbm>> -> memref<1x64xi32, #tpu.memory_space<hbm>>
      %dma_wait3A_121 = tpu.memref_squeeze %dma_wait3A_120 : memref<1x64xi32, #tpu.memory_space<hbm>> -> memref<64xi32, #tpu.memory_space<hbm>>
      %dma_wait3A_122 = tpu.memref_slice %arg3[%add3A, %mul3A_119] : memref<32x10240xi32, #tpu.memory_space<hbm>> -> memref<1x64xi32, #tpu.memory_space<hbm>>
      %dma_wait3A_123 = tpu.memref_squeeze %dma_wait3A_122 : memref<1x64xi32, #tpu.memory_space<hbm>> -> memref<64xi32, #tpu.memory_space<hbm>>
      tpu.wait_dma2 semaphore(%arg19 : memref<!tpu.dma_semaphore, #tpu.memory_space<semaphore_mem>>) src(%dma_wait3A_123 : memref<64xi32, #tpu.memory_space<hbm>>) dst(%arg10 : memref<64xi32, #tpu.memory_space<vmem>>)
      "tpu.region"() ({
        %run_scoped3A = tpu.sem_alloc : memref<!tpu.dma_semaphore, #tpu.memory_space<semaphore_mem>>
        %dma_start3A_152 = arith.constant 0 : i32
        %dma_start3A_153 = arith.constant 0 : i32
        %dma_start3A_154 = tpu.memref_slice %arg16[%dma_start3A_152, %dma_start3A_153] : memref<10240x128xf32, #tpu.memory_space<vmem_shared>> -> memref<10240x128xf32, #tpu.memory_space<vmem_shared>>
        tpu.enqueue_indirect_dma source(%arg14 : memref<64x128xf32, #tpu.memory_space<vmem>>) target(%dma_start3A_154 : memref<10240x128xf32, #tpu.memory_space<vmem_shared>>) offsets(%arg10 : memref<64xi32, #tpu.memory_space<vmem>>) semaphore(%run_scoped3A : memref<!tpu.dma_semaphore, #tpu.memory_space<semaphore_mem>>) {add = true}
        %dma_wait3A_155 = arith.constant 0 : i32
        %dma_wait3A_156 = arith.constant 0 : i32
        %dma_wait3A_157 = tpu.memref_slice %arg16[%dma_wait3A_155, %dma_wait3A_156] : memref<10240x128xf32, #tpu.memory_space<vmem_shared>> -> memref<10240x128xf32, #tpu.memory_space<vmem_shared>>
        tpu.wait_indirect_dma semaphore(%run_scoped3A : memref<!tpu.dma_semaphore, #tpu.memory_space<semaphore_mem>>) src(%arg14 : memref<64x128xf32, #tpu.memory_space<vmem>>) dst(%dma_wait3A_157 : memref<10240x128xf32, #tpu.memory_space<vmem_shared>>)
        tpu.yield
      }) : () -> ()
      %add3A_124 = arith.constant 4 : i32
      %add3A_125 = arith.addi %add3A_111, %add3A_124 : i32
      %lt3A_126 = arith.constant 160 : i32
      %lt3A_127 = arith.cmpi slt, %add3A_125, %lt3A_126 : i32
      %convert_element_type3A_128 = arith.extui %lt3A_127 : i1 to i32
      %cond3A_129 = arith.constant 0 : i32
      %cond3A_130 = arith.cmpi ne, %convert_element_type3A_128, %cond3A_129 : i32
      scf.if %cond3A_130 {
        %add3A_152 = arith.constant 4 : i32
        %add3A_153 = arith.addi %add3A_111, %add3A_152 : i32
        %mul3A_154 = arith.constant 64 : i32
        %mul3A_155 = arith.muli %add3A_153, %mul3A_154 : i32
        %dma_start3A_156 = tpu.memref_slice %arg3[%add3A, %mul3A_155] : memref<32x10240xi32, #tpu.memory_space<hbm>> -> memref<1x64xi32, #tpu.memory_space<hbm>>
        %dma_start3A_157 = tpu.memref_squeeze %dma_start3A_156 : memref<1x64xi32, #tpu.memory_space<hbm>> -> memref<64xi32, #tpu.memory_space<hbm>>
        %dma_start3A_158 = tpu.memref_slice %arg3[%add3A, %mul3A_155] : memref<32x10240xi32, #tpu.memory_space<hbm>> -> memref<1x64xi32, #tpu.memory_space<hbm>>
        %dma_start3A_159 = tpu.memref_squeeze %dma_start3A_158 : memref<1x64xi32, #tpu.memory_space<hbm>> -> memref<64xi32, #tpu.memory_space<hbm>>
        tpu.enqueue_dma source(%dma_start3A_159 : memref<64xi32, #tpu.memory_space<hbm>>) target(%arg10 : memref<64xi32, #tpu.memory_space<vmem>>) target_semaphore(%arg19 : memref<!tpu.dma_semaphore, #tpu.memory_space<semaphore_mem>>)
        %add3A_160 = arith.constant 4 : i32
        %add3A_161 = arith.addi %add3A_111, %add3A_160 : i32
        %mul3A_162 = arith.constant 64 : i32
        %mul3A_163 = arith.muli %add3A_161, %mul3A_162 : i32
        %dma_start3A_164 = tpu.memref_slice %arg7[%mul3A_163] : memref<10240xi32, #tpu.memory_space<vmem>> -> memref<64xi32, #tpu.memory_space<vmem>>
        %dma_start3A_165 = arith.constant 0 : i32
        %dma_start3A_166 = arith.constant 0 : i32
        %dma_start3A_167 = tpu.memref_slice %arg2[%dma_start3A_165, %dma_start3A_166] : memref<10000x128xf32, #tpu.memory_space<hbm>> -> memref<10000x128xf32, #tpu.memory_space<hbm>>
        tpu.enqueue_indirect_dma source(%dma_start3A_167 : memref<10000x128xf32, #tpu.memory_space<hbm>>) target(%arg14 : memref<64x128xf32, #tpu.memory_space<vmem>>) offsets(%dma_start3A_164 : memref<64xi32, #tpu.memory_space<vmem>>) semaphore(%arg23 : memref<!tpu.dma_semaphore, #tpu.memory_space<semaphore_mem>>)
      } else {
      }
      %add3A_131 = arith.constant 3 : i32
      %add3A_132 = arith.addi %mul3A_71, %add3A_131 : i32
      %mul3A_133 = arith.constant 64 : i32
      %mul3A_134 = arith.muli %add3A_132, %mul3A_133 : i32
      %dma_wait3A_135 = tpu.memref_slice %arg7[%mul3A_134] : memref<10240xi32, #tpu.memory_space<vmem>> -> memref<64xi32, #tpu.memory_space<vmem>>
      %dma_wait3A_136 = arith.constant 0 : i32
      %dma_wait3A_137 = arith.constant 0 : i32
      %dma_wait3A_138 = tpu.memref_slice %arg2[%dma_wait3A_136, %dma_wait3A_137] : memref<10000x128xf32, #tpu.memory_space<hbm>> -> memref<10000x128xf32, #tpu.memory_space<hbm>>
      tpu.wait_indirect_dma semaphore(%arg24 : memref<!tpu.dma_semaphore, #tpu.memory_space<semaphore_mem>>) src(%dma_wait3A_138 : memref<10000x128xf32, #tpu.memory_space<hbm>>) dst(%arg15 : memref<64x128xf32, #tpu.memory_space<vmem>>)
      %mul3A_139 = arith.constant 64 : i32
      %mul3A_140 = arith.muli %add3A_132, %mul3A_139 : i32
      %dma_wait3A_141 = tpu.memref_slice %arg3[%add3A, %mul3A_140] : memref<32x10240xi32, #tpu.memory_space<hbm>> -> memref<1x64xi32, #tpu.memory_space<hbm>>
      %dma_wait3A_142 = tpu.memref_squeeze %dma_wait3A_141 : memref<1x64xi32, #tpu.memory_space<hbm>> -> memref<64xi32, #tpu.memory_space<hbm>>
      %dma_wait3A_143 = tpu.memref_slice %arg3[%add3A, %mul3A_140] : memref<32x10240xi32, #tpu.memory_space<hbm>> -> memref<1x64xi32, #tpu.memory_space<hbm>>
      %dma_wait3A_144 = tpu.memref_squeeze %dma_wait3A_143 : memref<1x64xi32, #tpu.memory_space<hbm>> -> memref<64xi32, #tpu.memory_space<hbm>>
      tpu.wait_dma2 semaphore(%arg20 : memref<!tpu.dma_semaphore, #tpu.memory_space<semaphore_mem>>) src(%dma_wait3A_144 : memref<64xi32, #tpu.memory_space<hbm>>) dst(%arg11 : memref<64xi32, #tpu.memory_space<vmem>>)
      "tpu.region"() ({
        %run_scoped3A = tpu.sem_alloc : memref<!tpu.dma_semaphore, #tpu.memory_space<semaphore_mem>>
        %dma_start3A_152 = arith.constant 0 : i32
        %dma_start3A_153 = arith.constant 0 : i32
        %dma_start3A_154 = tpu.memref_slice %arg16[%dma_start3A_152, %dma_start3A_153] : memref<10240x128xf32, #tpu.memory_space<vmem_shared>> -> memref<10240x128xf32, #tpu.memory_space<vmem_shared>>
        tpu.enqueue_indirect_dma source(%arg15 : memref<64x128xf32, #tpu.memory_space<vmem>>) target(%dma_start3A_154 : memref<10240x128xf32, #tpu.memory_space<vmem_shared>>) offsets(%arg11 : memref<64xi32, #tpu.memory_space<vmem>>) semaphore(%run_scoped3A : memref<!tpu.dma_semaphore, #tpu.memory_space<semaphore_mem>>) {add = true}
        %dma_wait3A_155 = arith.constant 0 : i32
        %dma_wait3A_156 = arith.constant 0 : i32
        %dma_wait3A_157 = tpu.memref_slice %arg16[%dma_wait3A_155, %dma_wait3A_156] : memref<10240x128xf32, #tpu.memory_space<vmem_shared>> -> memref<10240x128xf32, #tpu.memory_space<vmem_shared>>
        tpu.wait_indirect_dma semaphore(%run_scoped3A : memref<!tpu.dma_semaphore, #tpu.memory_space<semaphore_mem>>) src(%arg15 : memref<64x128xf32, #tpu.memory_space<vmem>>) dst(%dma_wait3A_157 : memref<10240x128xf32, #tpu.memory_space<vmem_shared>>)
        tpu.yield
      }) : () -> ()
      %add3A_145 = arith.constant 4 : i32
      %add3A_146 = arith.addi %add3A_132, %add3A_145 : i32
      %lt3A_147 = arith.constant 160 : i32
      %lt3A_148 = arith.cmpi slt, %add3A_146, %lt3A_147 : i32
      %convert_element_type3A_149 = arith.extui %lt3A_148 : i1 to i32
      %cond3A_150 = arith.constant 0 : i32
      %cond3A_151 = arith.cmpi ne, %convert_element_type3A_149, %cond3A_150 : i32
      scf.if %cond3A_151 {
        %add3A_152 = arith.constant 4 : i32
        %add3A_153 = arith.addi %add3A_132, %add3A_152 : i32
        %mul3A_154 = arith.constant 64 : i32
        %mul3A_155 = arith.muli %add3A_153, %mul3A_154 : i32
        %dma_start3A_156 = tpu.memref_slice %arg3[%add3A, %mul3A_155] : memref<32x10240xi32, #tpu.memory_space<hbm>> -> memref<1x64xi32, #tpu.memory_space<hbm>>
        %dma_start3A_157 = tpu.memref_squeeze %dma_start3A_156 : memref<1x64xi32, #tpu.memory_space<hbm>> -> memref<64xi32, #tpu.memory_space<hbm>>
        %dma_start3A_158 = tpu.memref_slice %arg3[%add3A, %mul3A_155] : memref<32x10240xi32, #tpu.memory_space<hbm>> -> memref<1x64xi32, #tpu.memory_space<hbm>>
        %dma_start3A_159 = tpu.memref_squeeze %dma_start3A_158 : memref<1x64xi32, #tpu.memory_space<hbm>> -> memref<64xi32, #tpu.memory_space<hbm>>
        tpu.enqueue_dma source(%dma_start3A_159 : memref<64xi32, #tpu.memory_space<hbm>>) target(%arg11 : memref<64xi32, #tpu.memory_space<vmem>>) target_semaphore(%arg20 : memref<!tpu.dma_semaphore, #tpu.memory_space<semaphore_mem>>)
        %add3A_160 = arith.constant 4 : i32
        %add3A_161 = arith.addi %add3A_132, %add3A_160 : i32
        %mul3A_162 = arith.constant 64 : i32
        %mul3A_163 = arith.muli %add3A_161, %mul3A_162 : i32
        %dma_start3A_164 = tpu.memref_slice %arg7[%mul3A_163] : memref<10240xi32, #tpu.memory_space<vmem>> -> memref<64xi32, #tpu.memory_space<vmem>>
        %dma_start3A_165 = arith.constant 0 : i32
        %dma_start3A_166 = arith.constant 0 : i32
        %dma_start3A_167 = tpu.memref_slice %arg2[%dma_start3A_165, %dma_start3A_166] : memref<10000x128xf32, #tpu.memory_space<hbm>> -> memref<10000x128xf32, #tpu.memory_space<hbm>>
        tpu.enqueue_indirect_dma source(%dma_start3A_167 : memref<10000x128xf32, #tpu.memory_space<hbm>>) target(%arg15 : memref<64x128xf32, #tpu.memory_space<vmem>>) offsets(%dma_start3A_164 : memref<64xi32, #tpu.memory_space<vmem>>) semaphore(%arg24 : memref<!tpu.dma_semaphore, #tpu.memory_space<semaphore_mem>>)
      } else {
      }
    }
    %while3A_67 = arith.constant 1 : i32
    scf.for %while3A_69 = %while3A_65 to %while3A_61 step %while3A_67  : i32 {
      %mul3A_70 = arith.constant 4 : i32
      %mul3A_71 = arith.muli %while3A_69, %mul3A_70 : i32
      %add3A_72 = arith.constant 0 : i32
      %add3A_73 = arith.addi %mul3A_71, %add3A_72 : i32
      %mul3A_74 = arith.constant 64 : i32
      %mul3A_75 = arith.muli %add3A_73, %mul3A_74 : i32
      %dma_wait3A = tpu.memref_slice %arg7[%mul3A_75] : memref<10240xi32, #tpu.memory_space<vmem>> -> memref<64xi32, #tpu.memory_space<vmem>>
      %dma_wait3A_76 = arith.constant 0 : i32
      %dma_wait3A_77 = arith.constant 0 : i32
      %dma_wait3A_78 = tpu.memref_slice %arg2[%dma_wait3A_76, %dma_wait3A_77] : memref<10000x128xf32, #tpu.memory_space<hbm>> -> memref<10000x128xf32, #tpu.memory_space<hbm>>
      tpu.wait_indirect_dma semaphore(%arg21 : memref<!tpu.dma_semaphore, #tpu.memory_space<semaphore_mem>>) src(%dma_wait3A_78 : memref<10000x128xf32, #tpu.memory_space<hbm>>) dst(%arg12 : memref<64x128xf32, #tpu.memory_space<vmem>>)
      %mul3A_79 = arith.constant 64 : i32
      %mul3A_80 = arith.muli %add3A_73, %mul3A_79 : i32
      %dma_wait3A_81 = tpu.memref_slice %arg3[%add3A, %mul3A_80] : memref<32x10240xi32, #tpu.memory_space<hbm>> -> memref<1x64xi32, #tpu.memory_space<hbm>>
      %dma_wait3A_82 = tpu.memref_squeeze %dma_wait3A_81 : memref<1x64xi32, #tpu.memory_space<hbm>> -> memref<64xi32, #tpu.memory_space<hbm>>
      %dma_wait3A_83 = tpu.memref_slice %arg3[%add3A, %mul3A_80] : memref<32x10240xi32, #tpu.memory_space<hbm>> -> memref<1x64xi32, #tpu.memory_space<hbm>>
      %dma_wait3A_84 = tpu.memref_squeeze %dma_wait3A_83 : memref<1x64xi32, #tpu.memory_space<hbm>> -> memref<64xi32, #tpu.memory_space<hbm>>
      tpu.wait_dma2 semaphore(%arg17 : memref<!tpu.dma_semaphore, #tpu.memory_space<semaphore_mem>>) src(%dma_wait3A_84 : memref<64xi32, #tpu.memory_space<hbm>>) dst(%arg8 : memref<64xi32, #tpu.memory_space<vmem>>)
      "tpu.region"() ({
        %run_scoped3A = tpu.sem_alloc : memref<!tpu.dma_semaphore, #tpu.memory_space<semaphore_mem>>
        %dma_start3A_152 = arith.constant 0 : i32
        %dma_start3A_153 = arith.constant 0 : i32
        %dma_start3A_154 = tpu.memref_slice %arg16[%dma_start3A_152, %dma_start3A_153] : memref<10240x128xf32, #tpu.memory_space<vmem_shared>> -> memref<10240x128xf32, #tpu.memory_space<vmem_shared>>
        tpu.enqueue_indirect_dma source(%arg12 : memref<64x128xf32, #tpu.memory_space<vmem>>) target(%dma_start3A_154 : memref<10240x128xf32, #tpu.memory_space<vmem_shared>>) offsets(%arg8 : memref<64xi32, #tpu.memory_space<vmem>>) semaphore(%run_scoped3A : memref<!tpu.dma_semaphore, #tpu.memory_space<semaphore_mem>>) {add = true}
        %dma_wait3A_155 = arith.constant 0 : i32
        %dma_wait3A_156 = arith.constant 0 : i32
        %dma_wait3A_157 = tpu.memref_slice %arg16[%dma_wait3A_155, %dma_wait3A_156] : memref<10240x128xf32, #tpu.memory_space<vmem_shared>> -> memref<10240x128xf32, #tpu.memory_space<vmem_shared>>
        tpu.wait_indirect_dma semaphore(%run_scoped3A : memref<!tpu.dma_semaphore, #tpu.memory_space<semaphore_mem>>) src(%arg12 : memref<64x128xf32, #tpu.memory_space<vmem>>) dst(%dma_wait3A_157 : memref<10240x128xf32, #tpu.memory_space<vmem_shared>>)
        tpu.yield
      }) : () -> ()
      %add3A_85 = arith.constant 4 : i32
      %add3A_86 = arith.addi %add3A_73, %add3A_85 : i32
      %lt3A = arith.constant 160 : i32
      %lt3A_87 = arith.cmpi slt, %add3A_86, %lt3A : i32
      %convert_element_type3A = arith.extui %lt3A_87 : i1 to i32
      %cond3A = arith.constant 0 : i32
      %cond3A_88 = arith.cmpi ne, %convert_element_type3A, %cond3A : i32
      scf.if %cond3A_88 {
        %add3A_152 = arith.constant 4 : i32
        %add3A_153 = arith.addi %add3A_73, %add3A_152 : i32
        %mul3A_154 = arith.constant 64 : i32
        %mul3A_155 = arith.muli %add3A_153, %mul3A_154 : i32
        %dma_start3A_156 = tpu.memref_slice %arg3[%add3A, %mul3A_155] : memref<32x10240xi32, #tpu.memory_space<hbm>> -> memref<1x64xi32, #tpu.memory_space<hbm>>
        %dma_start3A_157 = tpu.memref_squeeze %dma_start3A_156 : memref<1x64xi32, #tpu.memory_space<hbm>> -> memref<64xi32, #tpu.memory_space<hbm>>
        %dma_start3A_158 = tpu.memref_slice %arg3[%add3A, %mul3A_155] : memref<32x10240xi32, #tpu.memory_space<hbm>> -> memref<1x64xi32, #tpu.memory_space<hbm>>
        %dma_start3A_159 = tpu.memref_squeeze %dma_start3A_158 : memref<1x64xi32, #tpu.memory_space<hbm>> -> memref<64xi32, #tpu.memory_space<hbm>>
        tpu.enqueue_dma source(%dma_start3A_159 : memref<64xi32, #tpu.memory_space<hbm>>) target(%arg8 : memref<64xi32, #tpu.memory_space<vmem>>) target_semaphore(%arg17 : memref<!tpu.dma_semaphore, #tpu.memory_space<semaphore_mem>>)
        %add3A_160 = arith.constant 4 : i32
        %add3A_161 = arith.addi %add3A_73, %add3A_160 : i32
        %mul3A_162 = arith.constant 64 : i32
        %mul3A_163 = arith.muli %add3A_161, %mul3A_162 : i32
        %dma_start3A_164 = tpu.memref_slice %arg7[%mul3A_163] : memref<10240xi32, #tpu.memory_space<vmem>> -> memref<64xi32, #tpu.memory_space<vmem>>
        %dma_start3A_165 = arith.constant 0 : i32
        %dma_start3A_166 = arith.constant 0 : i32
        %dma_start3A_167 = tpu.memref_slice %arg2[%dma_start3A_165, %dma_start3A_166] : memref<10000x128xf32, #tpu.memory_space<hbm>> -> memref<10000x128xf32, #tpu.memory_space<hbm>>
        tpu.enqueue_indirect_dma source(%dma_start3A_167 : memref<10000x128xf32, #tpu.memory_space<hbm>>) target(%arg12 : memref<64x128xf32, #tpu.memory_space<vmem>>) offsets(%dma_start3A_164 : memref<64xi32, #tpu.memory_space<vmem>>) semaphore(%arg21 : memref<!tpu.dma_semaphore, #tpu.memory_space<semaphore_mem>>)
      } else {
      }
      %add3A_89 = arith.constant 1 : i32
      %add3A_90 = arith.addi %mul3A_71, %add3A_89 : i32
      %mul3A_91 = arith.constant 64 : i32
      %mul3A_92 = arith.muli %add3A_90, %mul3A_91 : i32
      %dma_wait3A_93 = tpu.memref_slice %arg7[%mul3A_92] : memref<10240xi32, #tpu.memory_space<vmem>> -> memref<64xi32, #tpu.memory_space<vmem>>
      %dma_wait3A_94 = arith.constant 0 : i32
      %dma_wait3A_95 = arith.constant 0 : i32
      %dma_wait3A_96 = tpu.memref_slice %arg2[%dma_wait3A_94, %dma_wait3A_95] : memref<10000x128xf32, #tpu.memory_space<hbm>> -> memref<10000x128xf32, #tpu.memory_space<hbm>>
      tpu.wait_indirect_dma semaphore(%arg22 : memref<!tpu.dma_semaphore, #tpu.memory_space<semaphore_mem>>) src(%dma_wait3A_96 : memref<10000x128xf32, #tpu.memory_space<hbm>>) dst(%arg13 : memref<64x128xf32, #tpu.memory_space<vmem>>)
      %mul3A_97 = arith.constant 64 : i32
      %mul3A_98 = arith.muli %add3A_90, %mul3A_97 : i32
      %dma_wait3A_99 = tpu.memref_slice %arg3[%add3A, %mul3A_98] : memref<32x10240xi32, #tpu.memory_space<hbm>> -> memref<1x64xi32, #tpu.memory_space<hbm>>
      %dma_wait3A_100 = tpu.memref_squeeze %dma_wait3A_99 : memref<1x64xi32, #tpu.memory_space<hbm>> -> memref<64xi32, #tpu.memory_space<hbm>>
      %dma_wait3A_101 = tpu.memref_slice %arg3[%add3A, %mul3A_98] : memref<32x10240xi32, #tpu.memory_space<hbm>> -> memref<1x64xi32, #tpu.memory_space<hbm>>
      %dma_wait3A_102 = tpu.memref_squeeze %dma_wait3A_101 : memref<1x64xi32, #tpu.memory_space<hbm>> -> memref<64xi32, #tpu.memory_space<hbm>>
      tpu.wait_dma2 semaphore(%arg18 : memref<!tpu.dma_semaphore, #tpu.memory_space<semaphore_mem>>) src(%dma_wait3A_102 : memref<64xi32, #tpu.memory_space<hbm>>) dst(%arg9 : memref<64xi32, #tpu.memory_space<vmem>>)
      "tpu.region"() ({
        %run_scoped3A = tpu.sem_alloc : memref<!tpu.dma_semaphore, #tpu.memory_space<semaphore_mem>>
        %dma_start3A_152 = arith.constant 0 : i32
        %dma_start3A_153 = arith.constant 0 : i32
        %dma_start3A_154 = tpu.memref_slice %arg16[%dma_start3A_152, %dma_start3A_153] : memref<10240x128xf32, #tpu.memory_space<vmem_shared>> -> memref<10240x128xf32, #tpu.memory_space<vmem_shared>>
        tpu.enqueue_indirect_dma source(%arg13 : memref<64x128xf32, #tpu.memory_space<vmem>>) target(%dma_start3A_154 : memref<10240x128xf32, #tpu.memory_space<vmem_shared>>) offsets(%arg9 : memref<64xi32, #tpu.memory_space<vmem>>) semaphore(%run_scoped3A : memref<!tpu.dma_semaphore, #tpu.memory_space<semaphore_mem>>) {add = true}
        %dma_wait3A_155 = arith.constant 0 : i32
        %dma_wait3A_156 = arith.constant 0 : i32
        %dma_wait3A_157 = tpu.memref_slice %arg16[%dma_wait3A_155, %dma_wait3A_156] : memref<10240x128xf32, #tpu.memory_space<vmem_shared>> -> memref<10240x128xf32, #tpu.memory_space<vmem_shared>>
        tpu.wait_indirect_dma semaphore(%run_scoped3A : memref<!tpu.dma_semaphore, #tpu.memory_space<semaphore_mem>>) src(%arg13 : memref<64x128xf32, #tpu.memory_space<vmem>>) dst(%dma_wait3A_157 : memref<10240x128xf32, #tpu.memory_space<vmem_shared>>)
        tpu.yield
      }) : () -> ()
      %add3A_103 = arith.constant 4 : i32
      %add3A_104 = arith.addi %add3A_90, %add3A_103 : i32
      %lt3A_105 = arith.constant 160 : i32
      %lt3A_106 = arith.cmpi slt, %add3A_104, %lt3A_105 : i32
      %convert_element_type3A_107 = arith.extui %lt3A_106 : i1 to i32
      %cond3A_108 = arith.constant 0 : i32
      %cond3A_109 = arith.cmpi ne, %convert_element_type3A_107, %cond3A_108 : i32
      scf.if %cond3A_109 {
        %add3A_152 = arith.constant 4 : i32
        %add3A_153 = arith.addi %add3A_90, %add3A_152 : i32
        %mul3A_154 = arith.constant 64 : i32
        %mul3A_155 = arith.muli %add3A_153, %mul3A_154 : i32
        %dma_start3A_156 = tpu.memref_slice %arg3[%add3A, %mul3A_155] : memref<32x10240xi32, #tpu.memory_space<hbm>> -> memref<1x64xi32, #tpu.memory_space<hbm>>
        %dma_start3A_157 = tpu.memref_squeeze %dma_start3A_156 : memref<1x64xi32, #tpu.memory_space<hbm>> -> memref<64xi32, #tpu.memory_space<hbm>>
        %dma_start3A_158 = tpu.memref_slice %arg3[%add3A, %mul3A_155] : memref<32x10240xi32, #tpu.memory_space<hbm>> -> memref<1x64xi32, #tpu.memory_space<hbm>>
        %dma_start3A_159 = tpu.memref_squeeze %dma_start3A_158 : memref<1x64xi32, #tpu.memory_space<hbm>> -> memref<64xi32, #tpu.memory_space<hbm>>
        tpu.enqueue_dma source(%dma_start3A_159 : memref<64xi32, #tpu.memory_space<hbm>>) target(%arg9 : memref<64xi32, #tpu.memory_space<vmem>>) target_semaphore(%arg18 : memref<!tpu.dma_semaphore, #tpu.memory_space<semaphore_mem>>)
        %add3A_160 = arith.constant 4 : i32
        %add3A_161 = arith.addi %add3A_90, %add3A_160 : i32
        %mul3A_162 = arith.constant 64 : i32
        %mul3A_163 = arith.muli %add3A_161, %mul3A_162 : i32
        %dma_start3A_164 = tpu.memref_slice %arg7[%mul3A_163] : memref<10240xi32, #tpu.memory_space<vmem>> -> memref<64xi32, #tpu.memory_space<vmem>>
        %dma_start3A_165 = arith.constant 0 : i32
        %dma_start3A_166 = arith.constant 0 : i32
        %dma_start3A_167 = tpu.memref_slice %arg2[%dma_start3A_165, %dma_start3A_166] : memref<10000x128xf32, #tpu.memory_space<hbm>> -> memref<10000x128xf32, #tpu.memory_space<hbm>>
        tpu.enqueue_indirect_dma source(%dma_start3A_167 : memref<10000x128xf32, #tpu.memory_space<hbm>>) target(%arg13 : memref<64x128xf32, #tpu.memory_space<vmem>>) offsets(%dma_start3A_164 : memref<64xi32, #tpu.memory_space<vmem>>) semaphore(%arg22 : memref<!tpu.dma_semaphore, #tpu.memory_space<semaphore_mem>>)
      } else {
      }
      %add3A_110 = arith.constant 2 : i32
      %add3A_111 = arith.addi %mul3A_71, %add3A_110 : i32
      %mul3A_112 = arith.constant 64 : i32
      %mul3A_113 = arith.muli %add3A_111, %mul3A_112 : i32
      %dma_wait3A_114 = tpu.memref_slice %arg7[%mul3A_113] : memref<10240xi32, #tpu.memory_space<vmem>> -> memref<64xi32, #tpu.memory_space<vmem>>
      %dma_wait3A_115 = arith.constant 0 : i32
      %dma_wait3A_116 = arith.constant 0 : i32
      %dma_wait3A_117 = tpu.memref_slice %arg2[%dma_wait3A_115, %dma_wait3A_116] : memref<10000x128xf32, #tpu.memory_space<hbm>> -> memref<10000x128xf32, #tpu.memory_space<hbm>>
      tpu.wait_indirect_dma semaphore(%arg23 : memref<!tpu.dma_semaphore, #tpu.memory_space<semaphore_mem>>) src(%dma_wait3A_117 : memref<10000x128xf32, #tpu.memory_space<hbm>>) dst(%arg14 : memref<64x128xf32, #tpu.memory_space<vmem>>)
      %mul3A_118 = arith.constant 64 : i32
      %mul3A_119 = arith.muli %add3A_111, %mul3A_118 : i32
      %dma_wait3A_120 = tpu.memref_slice %arg3[%add3A, %mul3A_119] : memref<32x10240xi32, #tpu.memory_space<hbm>> -> memref<1x64xi32, #tpu.memory_space<hbm>>
      %dma_wait3A_121 = tpu.memref_squeeze %dma_wait3A_120 : memref<1x64xi32, #tpu.memory_space<hbm>> -> memref<64xi32, #tpu.memory_space<hbm>>
      %dma_wait3A_122 = tpu.memref_slice %arg3[%add3A, %mul3A_119] : memref<32x10240xi32, #tpu.memory_space<hbm>> -> memref<1x64xi32, #tpu.memory_space<hbm>>
      %dma_wait3A_123 = tpu.memref_squeeze %dma_wait3A_122 : memref<1x64xi32, #tpu.memory_space<hbm>> -> memref<64xi32, #tpu.memory_space<hbm>>
      tpu.wait_dma2 semaphore(%arg19 : memref<!tpu.dma_semaphore, #tpu.memory_space<semaphore_mem>>) src(%dma_wait3A_123 : memref<64xi32, #tpu.memory_space<hbm>>) dst(%arg10 : memref<64xi32, #tpu.memory_space<vmem>>)
      "tpu.region"() ({
        %run_scoped3A = tpu.sem_alloc : memref<!tpu.dma_semaphore, #tpu.memory_space<semaphore_mem>>
        %dma_start3A_152 = arith.constant 0 : i32
        %dma_start3A_153 = arith.constant 0 : i32
        %dma_start3A_154 = tpu.memref_slice %arg16[%dma_start3A_152, %dma_start3A_153] : memref<10240x128xf32, #tpu.memory_space<vmem_shared>> -> memref<10240x128xf32, #tpu.memory_space<vmem_shared>>
        tpu.enqueue_indirect_dma source(%arg14 : memref<64x128xf32, #tpu.memory_space<vmem>>) target(%dma_start3A_154 : memref<10240x128xf32, #tpu.memory_space<vmem_shared>>) offsets(%arg10 : memref<64xi32, #tpu.memory_space<vmem>>) semaphore(%run_scoped3A : memref<!tpu.dma_semaphore, #tpu.memory_space<semaphore_mem>>) {add = true}
        %dma_wait3A_155 = arith.constant 0 : i32
        %dma_wait3A_156 = arith.constant 0 : i32
        %dma_wait3A_157 = tpu.memref_slice %arg16[%dma_wait3A_155, %dma_wait3A_156] : memref<10240x128xf32, #tpu.memory_space<vmem_shared>> -> memref<10240x128xf32, #tpu.memory_space<vmem_shared>>
        tpu.wait_indirect_dma semaphore(%run_scoped3A : memref<!tpu.dma_semaphore, #tpu.memory_space<semaphore_mem>>) src(%arg14 : memref<64x128xf32, #tpu.memory_space<vmem>>) dst(%dma_wait3A_157 : memref<10240x128xf32, #tpu.memory_space<vmem_shared>>)
        tpu.yield
      }) : () -> ()
      %add3A_124 = arith.constant 4 : i32
      %add3A_125 = arith.addi %add3A_111, %add3A_124 : i32
      %lt3A_126 = arith.constant 160 : i32
      %lt3A_127 = arith.cmpi slt, %add3A_125, %lt3A_126 : i32
      %convert_element_type3A_128 = arith.extui %lt3A_127 : i1 to i32
      %cond3A_129 = arith.constant 0 : i32
      %cond3A_130 = arith.cmpi ne, %convert_element_type3A_128, %cond3A_129 : i32
      scf.if %cond3A_130 {
        %add3A_152 = arith.constant 4 : i32
        %add3A_153 = arith.addi %add3A_111, %add3A_152 : i32
        %mul3A_154 = arith.constant 64 : i32
        %mul3A_155 = arith.muli %add3A_153, %mul3A_154 : i32
        %dma_start3A_156 = tpu.memref_slice %arg3[%add3A, %mul3A_155] : memref<32x10240xi32, #tpu.memory_space<hbm>> -> memref<1x64xi32, #tpu.memory_space<hbm>>
        %dma_start3A_157 = tpu.memref_squeeze %dma_start3A_156 : memref<1x64xi32, #tpu.memory_space<hbm>> -> memref<64xi32, #tpu.memory_space<hbm>>
        %dma_start3A_158 = tpu.memref_slice %arg3[%add3A, %mul3A_155] : memref<32x10240xi32, #tpu.memory_space<hbm>> -> memref<1x64xi32, #tpu.memory_space<hbm>>
        %dma_start3A_159 = tpu.memref_squeeze %dma_start3A_158 : memref<1x64xi32, #tpu.memory_space<hbm>> -> memref<64xi32, #tpu.memory_space<hbm>>
        tpu.enqueue_dma source(%dma_start3A_159 : memref<64xi32, #tpu.memory_space<hbm>>) target(%arg10 : memref<64xi32, #tpu.memory_space<vmem>>) target_semaphore(%arg19 : memref<!tpu.dma_semaphore, #tpu.memory_space<semaphore_mem>>)
        %add3A_160 = arith.constant 4 : i32
        %add3A_161 = arith.addi %add3A_111, %add3A_160 : i32
        %mul3A_162 = arith.constant 64 : i32
        %mul3A_163 = arith.muli %add3A_161, %mul3A_162 : i32
        %dma_start3A_164 = tpu.memref_slice %arg7[%mul3A_163] : memref<10240xi32, #tpu.memory_space<vmem>> -> memref<64xi32, #tpu.memory_space<vmem>>
        %dma_start3A_165 = arith.constant 0 : i32
        %dma_start3A_166 = arith.constant 0 : i32
        %dma_start3A_167 = tpu.memref_slice %arg2[%dma_start3A_165, %dma_start3A_166] : memref<10000x128xf32, #tpu.memory_space<hbm>> -> memref<10000x128xf32, #tpu.memory_space<hbm>>
        tpu.enqueue_indirect_dma source(%dma_start3A_167 : memref<10000x128xf32, #tpu.memory_space<hbm>>) target(%arg14 : memref<64x128xf32, #tpu.memory_space<vmem>>) offsets(%dma_start3A_164 : memref<64xi32, #tpu.memory_space<vmem>>) semaphore(%arg23 : memref<!tpu.dma_semaphore, #tpu.memory_space<semaphore_mem>>)
      } else {
      }
      %add3A_131 = arith.constant 3 : i32
      %add3A_132 = arith.addi %mul3A_71, %add3A_131 : i32
      %mul3A_133 = arith.constant 64 : i32
      %mul3A_134 = arith.muli %add3A_132, %mul3A_133 : i32
      %dma_wait3A_135 = tpu.memref_slice %arg7[%mul3A_134] : memref<10240xi32, #tpu.memory_space<vmem>> -> memref<64xi32, #tpu.memory_space<vmem>>
      %dma_wait3A_136 = arith.constant 0 : i32
      %dma_wait3A_137 = arith.constant 0 : i32
      %dma_wait3A_138 = tpu.memref_slice %arg2[%dma_wait3A_136, %dma_wait3A_137] : memref<10000x128xf32, #tpu.memory_space<hbm>> -> memref<10000x128xf32, #tpu.memory_space<hbm>>
      tpu.wait_indirect_dma semaphore(%arg24 : memref<!tpu.dma_semaphore, #tpu.memory_space<semaphore_mem>>) src(%dma_wait3A_138 : memref<10000x128xf32, #tpu.memory_space<hbm>>) dst(%arg15 : memref<64x128xf32, #tpu.memory_space<vmem>>)
      %mul3A_139 = arith.constant 64 : i32
      %mul3A_140 = arith.muli %add3A_132, %mul3A_139 : i32
      %dma_wait3A_141 = tpu.memref_slice %arg3[%add3A, %mul3A_140] : memref<32x10240xi32, #tpu.memory_space<hbm>> -> memref<1x64xi32, #tpu.memory_space<hbm>>
      %dma_wait3A_142 = tpu.memref_squeeze %dma_wait3A_141 : memref<1x64xi32, #tpu.memory_space<hbm>> -> memref<64xi32, #tpu.memory_space<hbm>>
      %dma_wait3A_143 = tpu.memref_slice %arg3[%add3A, %mul3A_140] : memref<32x10240xi32, #tpu.memory_space<hbm>> -> memref<1x64xi32, #tpu.memory_space<hbm>>
      %dma_wait3A_144 = tpu.memref_squeeze %dma_wait3A_143 : memref<1x64xi32, #tpu.memory_space<hbm>> -> memref<64xi32, #tpu.memory_space<hbm>>
      tpu.wait_dma2 semaphore(%arg20 : memref<!tpu.dma_semaphore, #tpu.memory_space<semaphore_mem>>) src(%dma_wait3A_144 : memref<64xi32, #tpu.memory_space<hbm>>) dst(%arg11 : memref<64xi32, #tpu.memory_space<vmem>>)
      "tpu.region"() ({
        %run_scoped3A = tpu.sem_alloc : memref<!tpu.dma_semaphore, #tpu.memory_space<semaphore_mem>>
        %dma_start3A_152 = arith.constant 0 : i32
        %dma_start3A_153 = arith.constant 0 : i32
        %dma_start3A_154 = tpu.memref_slice %arg16[%dma_start3A_152, %dma_start3A_153] : memref<10240x128xf32, #tpu.memory_space<vmem_shared>> -> memref<10240x128xf32, #tpu.memory_space<vmem_shared>>
        tpu.enqueue_indirect_dma source(%arg15 : memref<64x128xf32, #tpu.memory_space<vmem>>) target(%dma_start3A_154 : memref<10240x128xf32, #tpu.memory_space<vmem_shared>>) offsets(%arg11 : memref<64xi32, #tpu.memory_space<vmem>>) semaphore(%run_scoped3A : memref<!tpu.dma_semaphore, #tpu.memory_space<semaphore_mem>>) {add = true}
        %dma_wait3A_155 = arith.constant 0 : i32
        %dma_wait3A_156 = arith.constant 0 : i32
        %dma_wait3A_157 = tpu.memref_slice %arg16[%dma_wait3A_155, %dma_wait3A_156] : memref<10240x128xf32, #tpu.memory_space<vmem_shared>> -> memref<10240x128xf32, #tpu.memory_space<vmem_shared>>
        tpu.wait_indirect_dma semaphore(%run_scoped3A : memref<!tpu.dma_semaphore, #tpu.memory_space<semaphore_mem>>) src(%arg15 : memref<64x128xf32, #tpu.memory_space<vmem>>) dst(%dma_wait3A_157 : memref<10240x128xf32, #tpu.memory_space<vmem_shared>>)
        tpu.yield
      }) : () -> ()
      %add3A_145 = arith.constant 4 : i32
      %add3A_146 = arith.addi %add3A_132, %add3A_145 : i32
      %lt3A_147 = arith.constant 160 : i32
      %lt3A_148 = arith.cmpi slt, %add3A_146, %lt3A_147 : i32
      %convert_element_type3A_149 = arith.extui %lt3A_148 : i1 to i32
      %cond3A_150 = arith.constant 0 : i32
      %cond3A_151 = arith.cmpi ne, %convert_element_type3A_149, %cond3A_150 : i32
      scf.if %cond3A_151 {
        %add3A_152 = arith.constant 4 : i32
        %add3A_153 = arith.addi %add3A_132, %add3A_152 : i32
        %mul3A_154 = arith.constant 64 : i32
        %mul3A_155 = arith.muli %add3A_153, %mul3A_154 : i32
        %dma_start3A_156 = tpu.memref_slice %arg3[%add3A, %mul3A_155] : memref<32x10240xi32, #tpu.memory_space<hbm>> -> memref<1x64xi32, #tpu.memory_space<hbm>>
        %dma_start3A_157 = tpu.memref_squeeze %dma_start3A_156 : memref<1x64xi32, #tpu.memory_space<hbm>> -> memref<64xi32, #tpu.memory_space<hbm>>
        %dma_start3A_158 = tpu.memref_slice %arg3[%add3A, %mul3A_155] : memref<32x10240xi32, #tpu.memory_space<hbm>> -> memref<1x64xi32, #tpu.memory_space<hbm>>
        %dma_start3A_159 = tpu.memref_squeeze %dma_start3A_158 : memref<1x64xi32, #tpu.memory_space<hbm>> -> memref<64xi32, #tpu.memory_space<hbm>>
        tpu.enqueue_dma source(%dma_start3A_159 : memref<64xi32, #tpu.memory_space<hbm>>) target(%arg11 : memref<64xi32, #tpu.memory_space<vmem>>) target_semaphore(%arg20 : memref<!tpu.dma_semaphore, #tpu.memory_space<semaphore_mem>>)
        %add3A_160 = arith.constant 4 : i32
        %add3A_161 = arith.addi %add3A_132, %add3A_160 : i32
        %mul3A_162 = arith.constant 64 : i32
        %mul3A_163 = arith.muli %add3A_161, %mul3A_162 : i32
        %dma_start3A_164 = tpu.memref_slice %arg7[%mul3A_163] : memref<10240xi32, #tpu.memory_space<vmem>> -> memref<64xi32, #tpu.memory_space<vmem>>
        %dma_start3A_165 = arith.constant 0 : i32
        %dma_start3A_166 = arith.constant 0 : i32
        %dma_start3A_167 = tpu.memref_slice %arg2[%dma_start3A_165, %dma_start3A_166] : memref<10000x128xf32, #tpu.memory_space<hbm>> -> memref<10000x128xf32, #tpu.memory_space<hbm>>
        tpu.enqueue_indirect_dma source(%dma_start3A_167 : memref<10000x128xf32, #tpu.memory_space<hbm>>) target(%arg15 : memref<64x128xf32, #tpu.memory_space<vmem>>) offsets(%dma_start3A_164 : memref<64xi32, #tpu.memory_space<vmem>>) semaphore(%arg24 : memref<!tpu.dma_semaphore, #tpu.memory_space<semaphore_mem>>)
      } else {
      }
    }
    %barrier3A_68 = arith.constant 0 : index
    tpu.barrier barrier_id(%barrier3A_68)
    "tpu.region"() ({
      %run_scoped3A = tpu.sem_alloc : memref<!tpu.dma_semaphore, #tpu.memory_space<semaphore_mem>>
      %dma_start3A_69 = arith.constant 0 : i32
      %dma_start3A_70 = tpu.memref_slice %arg6[%arg0, %mul3A_2, %dma_start3A_69] : memref<2x10240x128xf32, #tpu.memory_space<hbm>> -> memref<1x640x128xf32, #tpu.memory_space<hbm>>
      %dma_start3A_71 = tpu.memref_squeeze %dma_start3A_70 : memref<1x640x128xf32, #tpu.memory_space<hbm>> -> memref<640x128xf32, #tpu.memory_space<hbm>>
      %dma_start3A_72 = arith.constant 0 : i32
      %dma_start3A_73 = tpu.memref_slice %arg16[%mul3A_2, %dma_start3A_72] : memref<10240x128xf32, #tpu.memory_space<vmem_shared>> -> memref<640x128xf32, #tpu.memory_space<vmem_shared>>
      tpu.enqueue_dma source(%dma_start3A_73 : memref<640x128xf32, #tpu.memory_space<vmem_shared>>) target(%dma_start3A_71 : memref<640x128xf32, #tpu.memory_space<hbm>>) target_semaphore(%run_scoped3A : memref<!tpu.dma_semaphore, #tpu.memory_space<semaphore_mem>>)
      %dma_wait3A = arith.constant 0 : i32
      %dma_wait3A_74 = tpu.memref_slice %arg6[%arg0, %mul3A_2, %dma_wait3A] : memref<2x10240x128xf32, #tpu.memory_space<hbm>> -> memref<1x640x128xf32, #tpu.memory_space<hbm>>
      %dma_wait3A_75 = tpu.memref_squeeze %dma_wait3A_74 : memref<1x640x128xf32, #tpu.memory_space<hbm>> -> memref<640x128xf32, #tpu.memory_space<hbm>>
      %dma_wait3A_76 = arith.constant 0 : i32
      %dma_wait3A_77 = tpu.memref_slice %arg16[%mul3A_2, %dma_wait3A_76] : memref<10240x128xf32, #tpu.memory_space<vmem_shared>> -> memref<640x128xf32, #tpu.memory_space<vmem_shared>>
      tpu.wait_dma2 semaphore(%run_scoped3A : memref<!tpu.dma_semaphore, #tpu.memory_space<semaphore_mem>>) src(%dma_wait3A_77 : memref<640x128xf32, #tpu.memory_space<vmem_shared>>) dst(%dma_wait3A_75 : memref<640x128xf32, #tpu.memory_space<hbm>>)
      tpu.yield
    }) : () -> ()
    return
  }
}

module attributes {stable_mosaic.version = 14 : i64} {
  func.func @_tc_prep_body(%arg0: memref<32x10240xf32, #tpu.memory_space<vmem>>, %arg1: memref<10000x128xf32, #tpu.memory_space<vmem>>, %arg2: memref<10000x128xf32, #tpu.memory_space<vmem>>) attributes {dimension_semantics = [], scalar_prefetch = 0 : i64, scratch_operands = 0 : i64, tpu.core_type = #tpu.core_type<tc>} {
    %get3A = arith.constant 0 : index
    %get3A_0 = arith.constant 0 : index
    %get3A_1 = vector.load %arg0[%get3A, %get3A_0] : memref<32x10240xf32, #tpu.memory_space<vmem>>, vector<32x10240xf32>
    %reduce_sum3A = arith.constant dense<0.000000e+00> : vector<10240xf32>
    %reduce_sum3A_2 = vector.multi_reduction <add>, %get3A_1, %reduce_sum3A [0] : vector<32x10240xf32> to vector<10240xf32>
    %slice3A = vector.extract_strided_slice %reduce_sum3A_2 {offsets = [0], sizes = [10000], strides = [1]} : vector<10240xf32> to vector<10000xf32>
    %broadcast_in_dim3A = vector.shape_cast %slice3A : vector<10000xf32> to vector<10000x1xf32>
    %gt3A = arith.constant 0.000000e+00 : f32
    %gt3A_3 = vector.broadcast %gt3A : f32 to vector<10000x1xf32>
    %gt3A_4 = arith.cmpf ogt, %broadcast_in_dim3A, %gt3A_3 : vector<10000x1xf32>
    %max3A = arith.constant 9.99999935E-39 : f32
    %max3A_5 = vector.broadcast %max3A : f32 to vector<10000x1xf32>
    %max3A_6 = arith.maximumf %broadcast_in_dim3A, %max3A_5 : vector<10000x1xf32>
    %rsqrt3A = math.rsqrt %max3A_6 : vector<10000x1xf32>
    %jit3A = arith.constant 0.000000e+00 : f64
    %convert_element_type3A = arith.truncf %jit3A : f64 to f32
    %broadcast_in_dim3A_7 = vector.broadcast %convert_element_type3A : f32 to vector<10000x1xf32>
    %select_n3A = arith.select %gt3A_4, %rsqrt3A, %broadcast_in_dim3A_7 : vector<10000x1xi1>, vector<10000x1xf32>
    %get3A_8 = arith.constant 0 : index
    %get3A_9 = arith.constant 0 : index
    %get3A_10 = vector.load %arg1[%get3A_8, %get3A_9] : memref<10000x128xf32, #tpu.memory_space<vmem>>, vector<10000x128xf32>
    %mul3A = vector.broadcast %select_n3A : vector<10000x1xf32> to vector<10000x128xf32>
    %mul3A_11 = arith.mulf %mul3A, %get3A_10 : vector<10000x128xf32>
    %swap3A = arith.constant 0 : index
    %swap3A_12 = arith.constant 0 : index
    %swap3A_13 = vector.load %arg2[%swap3A, %swap3A_12] : memref<10000x128xf32, #tpu.memory_space<vmem>>, vector<10000x128xf32>
    tpu.vector_store %arg2[%swap3A, %swap3A_12], %mul3A_11 {strides = array<i32>} : memref<10000x128xf32, #tpu.memory_space<vmem>>, vector<10000x128xf32>,
    return
  }
}

module attributes {stable_mosaic.version = 14 : i64} {
  func.func @_tc_final_body(%arg0: memref<32x10240xf32, #tpu.memory_space<vmem>>, %arg1: memref<10000x128xf32, #tpu.memory_space<vmem>>, %arg2: memref<2x10240x128xf32, #tpu.memory_space<vmem>>, %arg3: memref<10000x256xf32, #tpu.memory_space<vmem>>) attributes {dimension_semantics = [], scalar_prefetch = 0 : i64, scratch_operands = 0 : i64, tpu.core_type = #tpu.core_type<tc>} {
    %get3A = arith.constant 0 : index
    %get3A_0 = arith.constant 0 : index
    %get3A_1 = vector.load %arg0[%get3A, %get3A_0] : memref<32x10240xf32, #tpu.memory_space<vmem>>, vector<32x10240xf32>
    %reduce_sum3A = arith.constant dense<0.000000e+00> : vector<10240xf32>
    %reduce_sum3A_2 = vector.multi_reduction <add>, %get3A_1, %reduce_sum3A [0] : vector<32x10240xf32> to vector<10240xf32>
    %slice3A = vector.extract_strided_slice %reduce_sum3A_2 {offsets = [0], sizes = [10000], strides = [1]} : vector<10240xf32> to vector<10000xf32>
    %broadcast_in_dim3A = vector.shape_cast %slice3A : vector<10000xf32> to vector<10000x1xf32>
    %gt3A = arith.constant 0.000000e+00 : f32
    %gt3A_3 = vector.broadcast %gt3A : f32 to vector<10000x1xf32>
    %gt3A_4 = arith.cmpf ogt, %broadcast_in_dim3A, %gt3A_3 : vector<10000x1xf32>
    %max3A = arith.constant 9.99999935E-39 : f32
    %max3A_5 = vector.broadcast %max3A : f32 to vector<10000x1xf32>
    %max3A_6 = arith.maximumf %broadcast_in_dim3A, %max3A_5 : vector<10000x1xf32>
    %rsqrt3A = math.rsqrt %max3A_6 : vector<10000x1xf32>
    %jit3A = arith.constant 0.000000e+00 : f64
    %convert_element_type3A = arith.truncf %jit3A : f64 to f32
    %broadcast_in_dim3A_7 = vector.broadcast %convert_element_type3A : f32 to vector<10000x1xf32>
    %select_n3A = arith.select %gt3A_4, %rsqrt3A, %broadcast_in_dim3A_7 : vector<10000x1xi1>, vector<10000x1xf32>
    %get3A_8 = arith.constant 0 : index
    %get3A_9 = arith.constant 0 : index
    %get3A_10 = arith.constant 0 : index
    %get3A_11 = vector.load %arg2[%get3A_8, %get3A_9, %get3A_10] : memref<2x10240x128xf32, #tpu.memory_space<vmem>>, vector<2x10240x128xf32>
    %get3A_12 = arith.constant 0 : index
    %get3A_13 = arith.constant 0 : index
    %get3A_14 = vector.load %arg1[%get3A_12, %get3A_13] : memref<10000x128xf32, #tpu.memory_space<vmem>>, vector<10000x128xf32>
    %swap3A = arith.constant 0 : index
    %swap3A_15 = arith.constant 0 : index
    %swap3A_16 = vector.load %arg3[%swap3A, %swap3A_15] : memref<10000x256xf32, #tpu.memory_space<vmem>>, vector<10000x128xf32>
    tpu.vector_store %arg3[%swap3A, %swap3A_15], %get3A_14 {strides = array<i32>} : memref<10000x256xf32, #tpu.memory_space<vmem>>, vector<10000x128xf32>,
    %slice3A_17 = vector.extract_strided_slice %get3A_11 {offsets = [0, 0, 0], sizes = [1, 10000, 128], strides = [1, 1, 1]} : vector<2x10240x128xf32> to vector<1x10000x128xf32>
    %squeeze3A = vector.shape_cast %slice3A_17 : vector<1x10000x128xf32> to vector<10000x128xf32>
    %slice3A_18 = vector.extract_strided_slice %get3A_11 {offsets = [1, 0, 0], sizes = [1, 10000, 128], strides = [1, 1, 1]} : vector<2x10240x128xf32> to vector<1x10000x128xf32>
    %squeeze3A_19 = vector.shape_cast %slice3A_18 : vector<1x10000x128xf32> to vector<10000x128xf32>
    %add3A = arith.addf %squeeze3A, %squeeze3A_19 : vector<10000x128xf32>
    %mul3A = vector.broadcast %select_n3A : vector<10000x1xf32> to vector<10000x128xf32>
    %mul3A_20 = arith.mulf %mul3A, %add3A : vector<10000x128xf32>
    %swap3A_21 = arith.constant 0 : index
    %swap3A_22 = arith.constant 128 : index
    %swap3A_23 = vector.load %arg3[%swap3A_21, %swap3A_22] : memref<10000x256xf32, #tpu.memory_space<vmem>>, vector<10000x128xf32>
    tpu.vector_store %arg3[%swap3A_21, %swap3A_22], %mul3A_20 {strides = array<i32>} : memref<10000x256xf32, #tpu.memory_space<vmem>>, vector<10000x128xf32>,
    return
  }
}

</mosaic_0001>

<sc_bundles>
// kernel: _run.6.cloned.1.call-start
scs
__scs_entry_jumppad:
0x0: {  	(pc) =	sbr.rel $0x88, $3  }
0x1: {  	(tag) =	ssettag $0x0;
	lr =	simm.s32 $0x1  }
0x2: {  	[smem:$0x3F9F] =	sst lr;
	_ =	strace $0xD0000000  }
0x3: {  	_ = 	snop  }
0x4: {  	_ = 	snop  }
0x5: {  	_ = 	snop  }
0x6: {  	_ = 	snop  }
0x7: {  	_ = 	snop  }
__scs_overlays_trampoline_lowered:
0x8: {  	[smem:$0x3FAE] =	sst s0  }
0x9: {  	[smem:$0x3FAF] =	sst s1  }
0xa: {  	[smem:$0x3FB0] =	sst s2  }
0xb: {  	[smem:$0x3FB1] =	sst s3  }
0xc: {  	[smem:$0x3FB2] =	sst s4  }
0xd: {  	[smem:$0x3FB3] =	sst s5  }
0xe: {  	[smem:$0x3FB4] =	sst s6  }
0xf: {  	[smem:$0x3FB5] =	sst s7  }
0x10: {  	[smem:$0x3FB6] =	sst s8  }
0x11: {  	[smem:$0x3FB7] =	sst s9;
	s0 =	simm.s32 @!p0 $0x0  }
0x12: {  	s1 =	sld [smem:$0x3F9D];
	s0 =	simm.s32 @p0 $0x1  }
0x13: {  	[smem:$0x3FB8] =	sst s0;
	s0 =	simm.s32 @!p1 $0x0  }
0x14: {  	s2 =	sld [smem:$0x3F9C];
	s0 =	simm.s32 @p1 $0x1  }
0x15: {  	[smem:$0x3FB9] =	sst s0;
	s0 =	simm.s32 @!p2 $0x0  }
0x16: {  	s3 =	sld [smem:$0x3FDB];
	s0 =	simm.s32 @p2 $0x1  }
0x17: {  	s4 =	simm.s32 $0x1BF5;
	[smem:$0x3FBB] =	sst s0  }
0x18: {  	s0 =	sld [smem:$0x3F9E];
	_ =	swait.ge [sflag:s4], $0x0  }
0x19: {  	s7 =	sld [smem:$0x3F9F]  }
0x1a: {  	s8 =	sadd.s32 $0xFFFFE003, lr  }
0x1b: {  	s9 =	sadd.s32 $0xFFFFFEF7, lr;
	s5 =	simm.s32 $0xFFFFFFFF;
	p2 =	slt.u32 s8, $0xFFFFF086  }
0x1c: {  	p1 =	slt.u32 s9, $0xF7A;
	s5 =	simm.s32 @!p2 $0x0  }
0x1d: {  	s5 =	simm.s32 @p1 $0x1;
	p0 =	seq.s32 s7, s2  }
0x1e: {  	s7 =	smul.u32 @!p0 $0xF7A, s2;
	p2 =	seq.s32 @!p0 s5, $0x0  }
0x1f: {  	s9 =	smul.u32 $0xF7A, s1;
	s8 =	simm.s32 @!p0 $0x1BF5;
	p2 =	por !p2, p0  }
0x20: {  	[sflag:s8] =	ssyncset.s32 @!p0 $0xFFFFF086;
	s6 =	sadd.s32 @!p0 s3, s7;
	s7 =	simm.s32 @!p0 $0x108  }
0x21: {  	s3 =	sadd.s32 s3, s9;
	s6 =	sadd.s32 @!p0 $0x88, s6;
	s7 =	simm.s32 @p2 $0x1082  }
0x22: {  	[simem:s7], [sflag:s8] =	dma.local @!p0 [hbm:s6], $0xF7A  }
0x23: {  	s9 =	sor.u32 $0xD0000000, s2;
	s6 =	simm.s32 $0x108;
	_ =	swait.ge @!p0 [sflag:s8], $0x0  }
0x24: {  	s3 =	sadd.s32 $0x88, s3;
	s6 =	simm.s32 @!p1 $0x1082;
	[sflag:s4] =	ssyncset.s32 $0xFFFFF086  }
0x25: {  	[simem:s6], [sflag:s4] =	dma.local [hbm:s3], $0xF7A  }
0x26: {  	[smem:$0x3F9F] =	sst s1;
	(tag) =	ssettag s2;
	_ =	strace s9  }
0x27: {  	s1 =	sld [smem:$0x3FAF]  }
0x28: {  	s2 =	sld [smem:$0x3FB0]  }
0x29: {  	s4 =	sld [smem:$0x3FB2]  }
0x2a: {  	p0 =	seq.s32 s5, $0x0;
	s5 =	sld [smem:$0x3FB3]  }
0x2b: {  	s6 =	sld [smem:$0x3FB4]  }
0x2c: {  	s7 =	sld [smem:$0x3FB5]  }
0x2d: {  	s3 =	simm.s32 $0x108;
	s8 =	sld [smem:$0x3FB6]  }
0x2e: {  	s3 =	simm.s32 @!p0 $0x1082;
	s9 =	sld [smem:$0x3FB7]  }
0x2f: {  	lr =	sadd.s32 s0, s3;
	s0 =	sld [smem:$0x3FAE]  }
0x30: {  	s3 =	sld [smem:$0x3FB1]  }
0x31: {  	[smem:$0x3FBA] =	sst s10  }
0x32: {  	s10 =	sld [smem:$0x3FB8];
	_ =	sdelay $0x3  }
0x33: {  	p0 =	seq.s32 s10, $0x1;
	s10 =	sld [smem:$0x3FBA];
	_ =	sdelay $0x3  }
0x34: {  	[smem:$0x3FBA] =	sst s10  }
0x35: {  	s10 =	sld [smem:$0x3FB9];
	_ =	sdelay $0x3  }
0x36: {  	p1 =	seq.s32 s10, $0x1;
	s10 =	sld [smem:$0x3FBA];
	_ =	sdelay $0x3  }
0x37: {  	[smem:$0x3FBA] =	sst s10  }
0x38: {  	s10 =	sld [smem:$0x3FBB]  }
0x39: {  	_ = 	snop;
	(pc) =	sbr.ind lr, $3  }
0x3a: {  	_ = 	snop  }
0x3b: {  	_ = 	snop  }
0x3c: {  	p2 =	seq.s32 s10, $0x1;
	s10 =	sld [smem:$0x3FBA]  }
0x3d: {  	_ =	shalt  }
0x3e: {  	_ =	shalt  }
0x3f: {  	_ =	shalt  }
0x40: {  	_ =	shalt  }
0x41: {  	_ =	shalt  }
0x42: {  	_ =	shalt  }
0x43: {  	_ =	shalt  }
0x44: {  	_ =	shalt  }
0x45: {  	_ =	shalt  }
0x46: {  	_ =	shalt  }
0x47: {  	_ =	shalt  }
0x48: {  	_ =	shalt  }
0x49: {  	_ =	shalt  }
0x4a: {  	_ =	shalt  }
0x4b: {  	_ =	shalt  }
0x4c: {  	_ =	shalt  }
0x4d: {  	_ =	shalt  }
0x4e: {  	_ =	shalt  }
0x4f: {  	_ =	shalt  }
0x50: {  	_ =	shalt  }
0x51: {  	_ =	shalt  }
0x52: {  	_ =	shalt  }
0x53: {  	_ =	shalt  }
0x54: {  	_ =	shalt  }
0x55: {  	_ =	shalt  }
0x56: {  	_ =	shalt  }
0x57: {  	_ =	shalt  }
0x58: {  	_ =	shalt  }
0x59: {  	_ =	shalt  }
0x5a: {  	_ =	shalt  }
0x5b: {  	_ =	shalt  }
0x5c: {  	_ =	shalt  }
0x5d: {  	_ =	shalt  }
0x5e: {  	_ =	shalt  }
0x5f: {  	_ =	shalt  }
0x60: {  	_ =	shalt  }
0x61: {  	_ =	shalt  }
0x62: {  	_ =	shalt  }
0x63: {  	_ =	shalt  }
0x64: {  	_ =	shalt  }
0x65: {  	_ =	shalt  }
0x66: {  	_ =	shalt  }
0x67: {  	_ =	shalt  }
0x68: {  	_ =	shalt  }
0x69: {  	_ =	shalt  }
0x6a: {  	_ =	shalt  }
0x6b: {  	_ =	shalt  }
0x6c: {  	_ =	shalt  }
0x6d: {  	_ =	shalt  }
0x6e: {  	_ =	shalt  }
0x6f: {  	_ =	shalt  }
0x70: {  	_ =	shalt  }
0x71: {  	_ =	shalt  }
0x72: {  	_ =	shalt  }
0x73: {  	_ =	shalt  }
0x74: {  	_ =	shalt  }
0x75: {  	_ =	shalt  }
0x76: {  	_ =	shalt  }
0x77: {  	_ =	shalt  }
0x78: {  	_ =	shalt  }
0x79: {  	_ =	shalt  }
0x7a: {  	_ =	shalt  }
0x7b: {  	_ =	shalt  }
0x7c: {  	_ =	shalt  }
0x7d: {  	_ =	shalt  }
0x7e: {  	_ =	shalt  }
0x7f: {  	_ =	shalt  }
0x80: {  	_ =	shalt  }
0x81: {  	_ =	shalt  }
0x82: {  	_ =	shalt  }
0x83: {  	_ =	shalt  }
0x84: {  	_ =	shalt  }
0x85: {  	_ =	shalt  }
0x86: {  	_ =	shalt  }
0x87: {  	_ =	shalt  }
.Lfunc_end0:
.L_simem_size_0:
called_computation_lowered:
.L_overlay_start_0:
0x88: {  	s2 =	sld [smem:$0x3FD9]  }
0x89: {  	s3 =	sld [smem:$0x3FFE];
	_ =	sdelay $0x1  }
0x8a: {  	s1 =	srdreg.scid  }
0x8b: {  	s0 =	sand.u32 $0x1, s1  }
0x8c: {  	s17 =	sshll.u32 s0, $0xA;
	s2 =	sadd.s32 s3, s2  }
0x8d: {  	s2 =	sadd.s32 s2, s17  }
0x8e: {  	[smem:$0x3FC6] =	sst s2  }
0x8f: {  	_ = 	snop  }
0x90: {  	s2 =	sld [smem:$0x3FD0];
	(tm) =	ssettm $0x1  }
0x91: {  	s18 =	sld [smem:$0x3FFB];
	_ =	sdelay $0x3  }
0x92: {  	_ =	strace s18  }
0x93: {  	s3 =	sld [smem:$0x3FFC];
	_ =	sdelay $0x3  }
0x94: {  	_ =	strace s3  }
0x95: {  	s3 =	sld [smem:$0x3FFD];
	_ =	sdelay $0x3  }
0x96: {  	_ =	strace s3  }
0x97: {  	_ =	strace $0x8FFFFFFF  }
0x98: {  	s19 =	sld [smem:$0x3FDB];
	_ =	sdelay $0x1  }
0x99: {  	s4 =	simm.s32 $_scs_section_size  }
0x9a: {  	s5 =	simm.s32 $_size__tile_overlayer_lowered;
	s6 =	simm.s32 $_tile_overlayer_lowered  }
0x9b: {  	s22 =	simm.s32 $0x1BFF;
	s21 =	sshll.u32 s6, $0x1;
	s3 =	sadd.s32 s4, s19  }
0x9c: {  	s7 =	simm.s32 $0x0;
	s20 =	sshll.u32 s5, $0x1;
	s5 =	sadd.s32 s21, s3  }
0x9d: {  	[timem:s7], [sflag:s22] =	dma.local [hbm:s5], s20  }
0x9e: {  	_ =	swait.ge [sflag:s22], s20  }
0x9f: {  	s4 =	ssub.s32 $0x0, s20;
	[sflag:s22] =	ssyncset.done $0x0  }
0xa0: {  	[sflag:s22] =	ssyncadd.s32 s4;
	_ =	sdelay $0x1  }
0xa1: {  	s23 =	simm.s32 $0x1B8B  }
0xa2: {  	_ =	swait.ge [sflag:s23], $0x1  }
0xa3: {  	[sflag:s23] =	ssyncset.done $0x0  }
0xa4: {  	s25 =	simm.s32 $0x1B8E;
	s24 =	sld [smem:$0x3FFE];
	[sflag:s23] =	ssyncadd.s32 $0xFFFFFFFF  }
0xa5: {  	s26 =	simm.s32 $execute0_lowered;
	[smem:$0x3FD2] =	sst s25  }
0xa6: {  	s5 =	sshll.u32 s26, $0x1;
	_ =	strace $0x80000046;
	[dreg:$0x1] =	wrdreg $0xFFFFFFFF  }
0xa7: {  	s28 =	simm.s32 $_size_execute0_lowered;
	s3 =	sadd.s32 s3, s5;
	[dreg:$0x0] =	wrdreg $0x0  }
0xa8: {  	s5 =	sshll.u32 s28, $0x1;
	[dreg:$0x2] =	wrdreg s3  }
0xa9: {  	[dreg:$0x3] =	wrdreg s5  }
0xaa: {  	[dreg:$0x4] =	wrdreg $0xC0  }
0xab: {  	_ =	task [dreg:s7], $0x5FFFF  }
0xac: {  	[dreg:$0x1] =	wrdreg $0xFFFFFFFF  }
0xad: {  	[dreg:$0x0] =	wrdreg $0x60  }
0xae: {  	[dreg:$0x2] =	wrdreg s24  }
0xaf: {  	[dreg:$0x3] =	wrdreg s2  }
0xb0: {  	[dreg:$0x4] =	wrdreg $0x9  }
0xb1: {  	_ =	task.clear_ibuf [dreg:s7], $0x5FFFF;
	_ =	strace $0x90000046  }
0xb2: {  	s29 =	simm.s32 $0x9;
	_ =	strace $0x80000048  }
0xb3: {  	_ =	swait.ge [sflag:s29], $0x1  }
0xb4: {  	[sflag:s29] =	ssyncadd.s32 $0xFFFFFFFF  }
0xb5: {  	_ =	strace $0x90000048  }
0xb6: {  	_ =	sfence  }
0xb7: {  	s30 =	sld [smem:$0x0];
	_ =	sdelay $0x2  }
0xb8: {  	s31 =	sshll.u32 s1, $0xD;
	s1 =	sshrl.u32 s1, $0x2  }
0xb9: {  	s3 =	sand.u32 $0x4000, s31;
	s1 =	sadd.s32 s1, s30  }
0xba: {  	s0 =	sor.u32 s3, s0;
	s1 =	sshll.u32 s1, $0x11  }
0xbb: {  	s0 =	sor.u32 s1, s0  }
0xbc: {  	s0 =	sadd.s32 $0x8F2B, s0  }
0xbd: {  	[sflag:s0] =	ssyncadd.remote.s32 $0x1  }
0xbe: {  	_ =	sfence.sel $0xFFFF  }
0xbf: {  	[dreg:$0x0] =	wrdreg $0xFFFFFFFF;
	(pc) =	sbr.abs _section_cstart, $3  }
0xc0: {  	[dreg:$0x1] =	wrdreg $0xFFFFFFFF  }
0xc1: {  	_ =	task.clear_ibuf [dreg:s7], $0x2FFFF;
	_ =	strace $0x9FFFFFFF  }
0xc2: {  	(tm) =	ssettm $0x7FFFFFFF  }
0xc3: {  	_ =	shalt  }
tec
execute0_lowered:
.L_overlay_start_1:
0x0: {  	(tag) =	ssettag $0x1  }
0x1: {  	s3 =	rddreg [dreg:$0x0];
	s1 =	srdreg.scid  }
0x2: {  	s0 =	stileid.u32;
	s6 =	rddreg [dreg:$0x1];
	s8 =	simm.s32 $0x1  }
0x3: {  	s9 =	simm.s32 $0x2800;
	s10 =	simm.s32 $0x0;
	s4 =	sand.u32 $0x1, s1  }
0x4: {  	s29 =	sshrl.u32 s0, $0x2;
	s2 =	sshll.u32 s0, $0x8;
	s1 =	rddreg [dreg:$0x2]  }
0x5: {  	s5 =	smul.u32 $0x14000, s29;
	s30 =	sshll.u32 s4, $0x7;
	s2 =	sand.u32 $0x300, s2  }
0x6: {  	s4 =	ssub.s32 $0x2, s4;
	s7 =	sor.u32 s30, s2;
	s2 =	simm.s32 $0x0  }
0x7: {  	s31 =	sshrl.u32 s4, $0x1;
	s5 =	sor.u32 s5, s7;
	[smem:$0x7FF] =	sst s2  }
0x8: {  	s7 =	ssub.s32 s4, s31;
	s5 =	sshrl.u32 s5, $0x3;
	_ =	strace $0x80000047  }
0x9: {  	s3 =	sadd.s32 s5, s3;
	s4 =	sadd.s32 s6, s5;
	s5 =	smax.u32 s7, $0x1  }
0xa: {  	v0 =	vimm.f32 $0.0e+00;
	v1 =	vimm.f32 $1.000000000e+00;
	s6 =	simm.s32 $0x80;
	s7 =	simm.s32 $0x400;
	s3 =	sadd.s32 $0x1000, s3  }
.LBB2_1:
0xb: {  	[tilespmem:s2], [sflag:$0x1] =	stream.strided.gather [hbm4b:s3+s6], $0x2800, s7, s6, $0x38;
	[tilespmem:$0x5000] =	vst v63  }
0xc: {  	_ =	swait.ge [sflag:s8], $0x2800  }
0xd: {  	[sflag:s8] =	ssyncset.done $0x0  }
0xe: {  	s11 =	simm.s32 $0x0;
	[sflag:s8] =	ssyncadd.s32 $0xFFFFD800  }
.LBB2_2:
0xf: {  	p0 =	sne.s32 s11, $0x9FC0  }
.Ltmp0:
0x10: {  	_ = 	snop;
	(pc) =	sbr.rel @p0 .LBB2_2-.Ltmp0, $3  }
0x11: {  	_ =	sdelay $0x1  }
0x12: {  	s12 =	sshra.s32 s11, $0x2  }
0x13: {  	s11 =	sadd.s32 $0x40, s11;
	[tilespmem:s12+$0x2800] =	vst v0  }
0x14: {  	s12 =	simm.s32 $0x0;
	s11 =	simm.s32 $0x40  }
.LBB2_4:
0x15: {  	p0 =	sne.s32 s11, $0x9FC0;
	v2 =	vld [tilespmem:s12+$0x0];
	_ =	sdelay $0x3  }
.Ltmp1:
0x16: {  	(pc) =	sbr.rel @p0 .LBB2_4-.Ltmp1, $2  }
0x17: {  	_ =	sdelay $0x2  }
0x18: {  	s12 =	sshra.s32 s11, $0x2;
	s11 =	sadd.s32 $0x40, s11;
	[tilespmem:v2+s9+$0x0] =	vst.idx.add.f32.msk $0xffff, v1  }
0x19: {  	v2 =	vld [tilespmem:s12+$0x0];
	_ =	sdelay $0x5  }
0x1a: {  	s10 =	sadd.s32 $0x1, s10  }
0x1b: {  	p0 =	sne.s32 s10, s5  }
.Ltmp2:
0x1c: {  	[tilespmem:v2+s9+$0x0] =	vst.idx.add.f32.msk $0xffff, v1;
	(pc) =	sbr.rel @p0 .LBB2_1-.Ltmp2, $4  }
0x1d: {  	[hbm4b:s4+s6] =	stream.strided.scatter [tilespmem:s9], [sflag:$0x1], $0x2800, s7, s6, $0x38;
	[tilespmem:$0x5000] =	vst v63  }
0x1e: {  	_ =	swait.ge [sflag:s8], $0x2800  }
0x1f: {  	[sflag:s8] =	ssyncset.done $0x0  }
0x20: {  	[sflag:s8] =	ssyncadd.s32 $0xFFFFD800  }
0x21: {  	_ =	sfence.sel $0x180000  }
0x22: {  	[bflag:$0x0] =	sbarrier.arrive $0xFFFF  }
0x23: {  	p0 =	sne.s32 s0, $0x0;
	_ =	strace $0x90000047  }
0x24: {  	s0 =	sadd.s32 @!p0 $0x100000, s1;
	[bflag:$0x2] =	sbarrier.arrive $0xFFFF  }
0x25: {  	[sflag:s0] =	ssyncadd.tile.s32 @!p0 $0x1;
	_ =	shalt  }
.Lfunc_end2:
_tile_overlayer_lowered:
.L_overlay_start_2:
0x26: {  	(tag) =	ssettag $0x2  }
0x27: {  	s0 =	rddreg [dreg:$0x0];
	s2 =	stileid.u32  }
0x28: {  	s1 =	rddreg [dreg:$0x1];
	p0 =	sne.s32 s2, $0x0  }
0x29: {  	s3 =	rddreg [dreg:$0x2];
	[bflag:$0x3] =	sbarrier.arrive $0xFFFF;
	s2 =	simm.s32 @!p0 $0x1C01  }
0x2a: {  	[timem:s3], [sflag:s2] =	dma.local @!p0 [hbm:s0], s1  }
0x2b: {  	s0 =	simm.s32 @!p0 $0x1  }
0x2c: {  	_ =	swait.ge @!p0 [sflag:s0], s1  }
0x2d: {  	s1 =	ssub.s32 @!p0 $0x0, s1;
	[sflag:s0] =	ssyncset.done @!p0 $0x0  }
0x2e: {  	[sflag:s0] =	ssyncadd.s32 @!p0 s1  }
0x2f: {  	[bflag:$0x3] =	sbarrier.arrive $0xFFFF  }
0x30: {  	_ =	shalt  }

// kernel: _run.9.cloned.1.call-start
scs
__scs_entry_jumppad:
0x0: {  	(pc) =	sbr.rel $0x88, $3  }
0x1: {  	(tag) =	ssettag $0x0;
	lr =	simm.s32 $0x1  }
0x2: {  	[smem:$0x3F9F] =	sst lr;
	_ =	strace $0xD0000000  }
0x3: {  	_ = 	snop  }
0x4: {  	_ = 	snop  }
0x5: {  	_ = 	snop  }
0x6: {  	_ = 	snop  }
0x7: {  	_ = 	snop  }
__scs_overlays_trampoline_lowered:
0x8: {  	[smem:$0x3FAE] =	sst s0  }
0x9: {  	[smem:$0x3FAF] =	sst s1  }
0xa: {  	[smem:$0x3FB0] =	sst s2  }
0xb: {  	[smem:$0x3FB1] =	sst s3  }
0xc: {  	[smem:$0x3FB2] =	sst s4  }
0xd: {  	[smem:$0x3FB3] =	sst s5  }
0xe: {  	[smem:$0x3FB4] =	sst s6  }
0xf: {  	[smem:$0x3FB5] =	sst s7  }
0x10: {  	[smem:$0x3FB6] =	sst s8  }
0x11: {  	[smem:$0x3FB7] =	sst s9;
	s0 =	simm.s32 @!p0 $0x0  }
0x12: {  	s1 =	sld [smem:$0x3F9D];
	s0 =	simm.s32 @p0 $0x1  }
0x13: {  	[smem:$0x3FB8] =	sst s0;
	s0 =	simm.s32 @!p1 $0x0  }
0x14: {  	s2 =	sld [smem:$0x3F9C];
	s0 =	simm.s32 @p1 $0x1  }
0x15: {  	[smem:$0x3FB9] =	sst s0;
	s0 =	simm.s32 @!p2 $0x0  }
0x16: {  	s3 =	sld [smem:$0x3FDB];
	s0 =	simm.s32 @p2 $0x1  }
0x17: {  	s4 =	simm.s32 $0x1BF5;
	[smem:$0x3FBB] =	sst s0  }
0x18: {  	s0 =	sld [smem:$0x3F9E];
	_ =	swait.ge [sflag:s4], $0x0  }
0x19: {  	s7 =	sld [smem:$0x3F9F]  }
0x1a: {  	s8 =	sadd.s32 $0xFFFFE003, lr  }
0x1b: {  	s9 =	sadd.s32 $0xFFFFFEF7, lr;
	s5 =	simm.s32 $0xFFFFFFFF;
	p2 =	slt.u32 s8, $0xFFFFF086  }
0x1c: {  	p1 =	slt.u32 s9, $0xF7A;
	s5 =	simm.s32 @!p2 $0x0  }
0x1d: {  	s5 =	simm.s32 @p1 $0x1;
	p0 =	seq.s32 s7, s2  }
0x1e: {  	s7 =	smul.u32 @!p0 $0xF7A, s2;
	p2 =	seq.s32 @!p0 s5, $0x0  }
0x1f: {  	s9 =	smul.u32 $0xF7A, s1;
	s8 =	simm.s32 @!p0 $0x1BF5;
	p2 =	por !p2, p0  }
0x20: {  	[sflag:s8] =	ssyncset.s32 @!p0 $0xFFFFF086;
	s6 =	sadd.s32 @!p0 s3, s7;
	s7 =	simm.s32 @!p0 $0x108  }
0x21: {  	s3 =	sadd.s32 s3, s9;
	s6 =	sadd.s32 @!p0 $0x88, s6;
	s7 =	simm.s32 @p2 $0x1082  }
0x22: {  	[simem:s7], [sflag:s8] =	dma.local @!p0 [hbm:s6], $0xF7A  }
0x23: {  	s9 =	sor.u32 $0xD0000000, s2;
	s6 =	simm.s32 $0x108;
	_ =	swait.ge @!p0 [sflag:s8], $0x0  }
0x24: {  	s3 =	sadd.s32 $0x88, s3;
	s6 =	simm.s32 @!p1 $0x1082;
	[sflag:s4] =	ssyncset.s32 $0xFFFFF086  }
0x25: {  	[simem:s6], [sflag:s4] =	dma.local [hbm:s3], $0xF7A  }
0x26: {  	[smem:$0x3F9F] =	sst s1;
	(tag) =	ssettag s2;
	_ =	strace s9  }
0x27: {  	s1 =	sld [smem:$0x3FAF]  }
0x28: {  	s2 =	sld [smem:$0x3FB0]  }
0x29: {  	s4 =	sld [smem:$0x3FB2]  }
0x2a: {  	p0 =	seq.s32 s5, $0x0;
	s5 =	sld [smem:$0x3FB3]  }
0x2b: {  	s6 =	sld [smem:$0x3FB4]  }
0x2c: {  	s7 =	sld [smem:$0x3FB5]  }
0x2d: {  	s3 =	simm.s32 $0x108;
	s8 =	sld [smem:$0x3FB6]  }
0x2e: {  	s3 =	simm.s32 @!p0 $0x1082;
	s9 =	sld [smem:$0x3FB7]  }
0x2f: {  	lr =	sadd.s32 s0, s3;
	s0 =	sld [smem:$0x3FAE]  }
0x30: {  	s3 =	sld [smem:$0x3FB1]  }
0x31: {  	[smem:$0x3FBA] =	sst s10  }
0x32: {  	s10 =	sld [smem:$0x3FB8];
	_ =	sdelay $0x3  }
0x33: {  	p0 =	seq.s32 s10, $0x1;
	s10 =	sld [smem:$0x3FBA];
	_ =	sdelay $0x3  }
0x34: {  	[smem:$0x3FBA] =	sst s10  }
0x35: {  	s10 =	sld [smem:$0x3FB9];
	_ =	sdelay $0x3  }
0x36: {  	p1 =	seq.s32 s10, $0x1;
	s10 =	sld [smem:$0x3FBA];
	_ =	sdelay $0x3  }
0x37: {  	[smem:$0x3FBA] =	sst s10  }
0x38: {  	s10 =	sld [smem:$0x3FBB]  }
0x39: {  	_ = 	snop;
	(pc) =	sbr.ind lr, $3  }
0x3a: {  	_ = 	snop  }
0x3b: {  	_ = 	snop  }
0x3c: {  	p2 =	seq.s32 s10, $0x1;
	s10 =	sld [smem:$0x3FBA]  }
0x3d: {  	_ =	shalt  }
0x3e: {  	_ =	shalt  }
0x3f: {  	_ =	shalt  }
0x40: {  	_ =	shalt  }
0x41: {  	_ =	shalt  }
0x42: {  	_ =	shalt  }
0x43: {  	_ =	shalt  }
0x44: {  	_ =	shalt  }
0x45: {  	_ =	shalt  }
0x46: {  	_ =	shalt  }
0x47: {  	_ =	shalt  }
0x48: {  	_ =	shalt  }
0x49: {  	_ =	shalt  }
0x4a: {  	_ =	shalt  }
0x4b: {  	_ =	shalt  }
0x4c: {  	_ =	shalt  }
0x4d: {  	_ =	shalt  }
0x4e: {  	_ =	shalt  }
0x4f: {  	_ =	shalt  }
0x50: {  	_ =	shalt  }
0x51: {  	_ =	shalt  }
0x52: {  	_ =	shalt  }
0x53: {  	_ =	shalt  }
0x54: {  	_ =	shalt  }
0x55: {  	_ =	shalt  }
0x56: {  	_ =	shalt  }
0x57: {  	_ =	shalt  }
0x58: {  	_ =	shalt  }
0x59: {  	_ =	shalt  }
0x5a: {  	_ =	shalt  }
0x5b: {  	_ =	shalt  }
0x5c: {  	_ =	shalt  }
0x5d: {  	_ =	shalt  }
0x5e: {  	_ =	shalt  }
0x5f: {  	_ =	shalt  }
0x60: {  	_ =	shalt  }
0x61: {  	_ =	shalt  }
0x62: {  	_ =	shalt  }
0x63: {  	_ =	shalt  }
0x64: {  	_ =	shalt  }
0x65: {  	_ =	shalt  }
0x66: {  	_ =	shalt  }
0x67: {  	_ =	shalt  }
0x68: {  	_ =	shalt  }
0x69: {  	_ =	shalt  }
0x6a: {  	_ =	shalt  }
0x6b: {  	_ =	shalt  }
0x6c: {  	_ =	shalt  }
0x6d: {  	_ =	shalt  }
0x6e: {  	_ =	shalt  }
0x6f: {  	_ =	shalt  }
0x70: {  	_ =	shalt  }
0x71: {  	_ =	shalt  }
0x72: {  	_ =	shalt  }
0x73: {  	_ =	shalt  }
0x74: {  	_ =	shalt  }
0x75: {  	_ =	shalt  }
0x76: {  	_ =	shalt  }
0x77: {  	_ =	shalt  }
0x78: {  	_ =	shalt  }
0x79: {  	_ =	shalt  }
0x7a: {  	_ =	shalt  }
0x7b: {  	_ =	shalt  }
0x7c: {  	_ =	shalt  }
0x7d: {  	_ =	shalt  }
0x7e: {  	_ =	shalt  }
0x7f: {  	_ =	shalt  }
0x80: {  	_ =	shalt  }
0x81: {  	_ =	shalt  }
0x82: {  	_ =	shalt  }
0x83: {  	_ =	shalt  }
0x84: {  	_ =	shalt  }
0x85: {  	_ =	shalt  }
0x86: {  	_ =	shalt  }
0x87: {  	_ =	shalt  }
.Lfunc_end0:
.L_simem_size_0:
called_computation.1_lowered:
.L_overlay_start_0:
0x88: {  	s2 =	sld [smem:$0x3FD9]  }
0x89: {  	s3 =	sld [smem:$0x3FFE];
	_ =	sdelay $0x1  }
0x8a: {  	s1 =	srdreg.scid  }
0x8b: {  	s0 =	sand.u32 $0x1, s1  }
0x8c: {  	s17 =	sshll.u32 s0, $0xA;
	s2 =	sadd.s32 s3, s2  }
0x8d: {  	s2 =	sadd.s32 s2, s17  }
0x8e: {  	[smem:$0x3FC6] =	sst s2  }
0x8f: {  	_ = 	snop  }
0x90: {  	s2 =	sld [smem:$0x3FD0];
	(tm) =	ssettm $0x1  }
0x91: {  	s18 =	sld [smem:$0x3FFB];
	_ =	sdelay $0x3  }
0x92: {  	_ =	strace s18  }
0x93: {  	s3 =	sld [smem:$0x3FFC];
	_ =	sdelay $0x3  }
0x94: {  	_ =	strace s3  }
0x95: {  	s3 =	sld [smem:$0x3FFD];
	_ =	sdelay $0x3  }
0x96: {  	_ =	strace s3  }
0x97: {  	_ =	strace $0x8FFFFFFF  }
0x98: {  	s19 =	sld [smem:$0x3FDB];
	_ =	sdelay $0x1  }
0x99: {  	s4 =	simm.s32 $_scs_section_size  }
0x9a: {  	s5 =	simm.s32 $_size__tile_overlayer_lowered;
	s6 =	simm.s32 $_tile_overlayer_lowered  }
0x9b: {  	s22 =	simm.s32 $0x1BFF;
	s21 =	sshll.u32 s6, $0x1;
	s3 =	sadd.s32 s4, s19  }
0x9c: {  	s7 =	simm.s32 $0x0;
	s20 =	sshll.u32 s5, $0x1;
	s5 =	sadd.s32 s21, s3  }
0x9d: {  	[timem:s7], [sflag:s22] =	dma.local [hbm:s5], s20  }
0x9e: {  	_ =	swait.ge [sflag:s22], s20  }
0x9f: {  	s4 =	ssub.s32 $0x0, s20;
	[sflag:s22] =	ssyncset.done $0x0  }
0xa0: {  	[sflag:s22] =	ssyncadd.s32 s4;
	_ =	sdelay $0x1  }
0xa1: {  	s23 =	simm.s32 $0x1B8B  }
0xa2: {  	_ =	swait.ge [sflag:s23], $0x1  }
0xa3: {  	[sflag:s23] =	ssyncset.done $0x0  }
0xa4: {  	s25 =	simm.s32 $0x1B8E;
	s24 =	sld [smem:$0x3FFE];
	[sflag:s23] =	ssyncadd.s32 $0xFFFFFFFF  }
0xa5: {  	s26 =	simm.s32 $execute0_lowered;
	[smem:$0x3FD2] =	sst s25  }
0xa6: {  	s5 =	sshll.u32 s26, $0x1;
	_ =	strace $0x80000049;
	[dreg:$0x1] =	wrdreg $0xFFFFFFFF  }
0xa7: {  	s28 =	simm.s32 $_size_execute0_lowered;
	s3 =	sadd.s32 s3, s5;
	[dreg:$0x0] =	wrdreg $0x0  }
0xa8: {  	s5 =	sshll.u32 s28, $0x1;
	[dreg:$0x2] =	wrdreg s3  }
0xa9: {  	[dreg:$0x3] =	wrdreg s5  }
0xaa: {  	[dreg:$0x4] =	wrdreg $0xC0  }
0xab: {  	_ =	task [dreg:s7], $0x5FFFF  }
0xac: {  	[dreg:$0x1] =	wrdreg $0xFFFFFFFF  }
0xad: {  	[dreg:$0x0] =	wrdreg $0x60  }
0xae: {  	[dreg:$0x2] =	wrdreg s2  }
0xaf: {  	[dreg:$0x3] =	wrdreg s24  }
0xb0: {  	[dreg:$0x4] =	wrdreg $0xAA000  }
0xb1: {  	[dreg:$0x5] =	wrdreg $0x9  }
0xb2: {  	_ =	task.clear_ibuf [dreg:s7], $0x6FFFF;
	_ =	strace $0x90000049  }
0xb3: {  	s29 =	simm.s32 $0x9;
	_ =	strace $0x8000004B  }
0xb4: {  	_ =	swait.ge [sflag:s29], $0x1  }
0xb5: {  	[sflag:s29] =	ssyncadd.s32 $0xFFFFFFFF  }
0xb6: {  	_ =	strace $0x9000004B  }
0xb7: {  	_ =	sfence  }
0xb8: {  	s30 =	sld [smem:$0x0];
	_ =	sdelay $0x2  }
0xb9: {  	s31 =	sshll.u32 s1, $0xD;
	s1 =	sshrl.u32 s1, $0x2  }
0xba: {  	s3 =	sand.u32 $0x4000, s31;
	s1 =	sadd.s32 s1, s30  }
0xbb: {  	s0 =	sor.u32 s3, s0;
	s1 =	sshll.u32 s1, $0x11  }
0xbc: {  	s0 =	sor.u32 s1, s0  }
0xbd: {  	s0 =	sadd.s32 $0x8F2B, s0  }
0xbe: {  	[sflag:s0] =	ssyncadd.remote.s32 $0x1  }
0xbf: {  	_ =	sfence.sel $0xFFFF  }
0xc0: {  	[dreg:$0x0] =	wrdreg $0xFFFFFFFF;
	(pc) =	sbr.abs _section_cstart, $3  }
0xc1: {  	[dreg:$0x1] =	wrdreg $0xFFFFFFFF  }
0xc2: {  	_ =	task.clear_ibuf [dreg:s7], $0x2FFFF;
	_ =	strace $0x9FFFFFFF  }
0xc3: {  	(tm) =	ssettm $0x7FFFFFFF  }
tec
execute0_lowered:
.L_overlay_start_1:
0x0: {  	(tag) =	ssettag $0x1  }
0x1: {  	s1 =	rddreg [dreg:$0x0]  }
0x2: {  	s0 =	rddreg [dreg:$0x1]  }
0x3: {  	s3 =	rddreg [dreg:$0x2]  }
0x4: {  	s2 =	srdreg.scid;
	s14 =	stileid.u32;
	s28 =	simm.s32 $0x2900  }
0x5: {  	s29 =	simm.s32 $0x6A00;
	s30 =	simm.s32 $0x2980;
	s31 =	simm.s32 $0x8  }
0x6: {  	s2 =	sand.u32 $0x1, s2;
	s4 =	sshrl.u32 s14, $0x2;
	s11 =	smul.u32 $0x14000, s14  }
0x7: {  	s5 =	sshll.u32 s14, $0x8;
	s26 =	smul.u32 $0x50000, s14;
	s13 =	sadd.s32 $0x15000, s0  }
0x8: {  	s18 =	sshll.u32 s14, $0x6;
	s6 =	smul.u32 $0x14000, s4;
	s8 =	sshll.u32 s2, $0x7  }
0x9: {  	s9 =	sand.u32 $0x300, s5;
	s4 =	simm.s32 $0x0;
	s7 =	smul.u32 $0x140000, s2  }
0xa: {  	s2 =	ssub.s32 $0x2, s2;
	s5 =	sor.u32 s8, s9;
	[smem:$0x7FF] =	sst s4  }
0xb: {  	s17 =	sshrl.u32 s2, $0x1;
	s10 =	sor.u32 s6, s5;
	_ =	strace $0x8000004A  }
0xc: {  	s5 =	sadd.s32 $0x1000, s0;
	s7 =	sadd.s32 s11, s7;
	[dreg:$0x4] =	wrdreg s13  }
0xd: {  	s11 =	sshrl.u32 s26, $0x2;
	s2 =	ssub.s32 s2, s17;
	s6 =	sor.u32 s9, s6  }
0xe: {  	s12 =	sshrl.u32 s10, $0x3;
	s7 =	sshrl.u32 s7, $0x3;
	s16 =	sadd.s32 s11, s3  }
0xf: {  	s11 =	sor.u32 $0x1C09, s18;
	s21 =	sor.u32 s8, s6;
	s2 =	smax.u32 s2, $0x1  }
0x10: {  	s8 =	simm.s32 $0x0;
	s10 =	sadd.s32 s12, s0;
	s15 =	sadd.s32 s7, s0  }
0x11: {  	s20 =	sadd.s32 s5, s12;
	s24 =	sor.u32 $0xC00, s21;
	[dreg:$0xb] =	wrdreg s2  }
0x12: {  	s9 =	sshrl.u32 s16, $0x3;
	s2 =	simm.s32 $0x5;
	[dreg:$0x6] =	wrdreg s20  }
0x13: {  	s19 =	sadd.s32 $0xB000, s10;
	s10 =	sadd.s32 $0x1008, s0;
	[dreg:$0xe] =	wrdreg s9  }
0x14: {  	s23 =	sadd.s32 $0x80, s20;
	s7 =	sadd.s32 $0x88, s20;
	[dreg:$0x5] =	wrdreg s19  }
0x15: {  	s25 =	sadd.s32 $0x17800, s15;
	s6 =	sshrl.u32 s24, $0x3;
	[dreg:$0x8] =	wrdreg s23  }
0x16: {  	s0 =	sor.u32 $0x800, s21;
	s24 =	simm.s32 $0x2A00;
	[dreg:$0x9] =	wrdreg s7  }
.Ltmp0:
0x17: {  	s21 =	simm.s32 $0x1;
	[dreg:$0xa] =	wrdreg s25;
	(pc) =	sbr.rel .LBB2_1-.Ltmp0, $4  }
0x18: {  	s22 =	sadd.s32 s12, s10;
	[dreg:$0xc] =	wrdreg s0;
	s26 =	sadd.s32 s6, s5  }
0x19: {  	s19 =	simm.s32 $0x9;
	s23 =	simm.s32 $0x40;
	s0 =	simm.s32 $0x8A00  }
0x1a: {  	s25 =	simm.s32 $0x7;
	s6 =	simm.s32 $0x4;
	[dreg:$0x7] =	wrdreg s22  }
0x1b: {  	[dreg:$0xd] =	wrdreg s26;
	s22 =	simm.s32 $0x2800;
	s26 =	simm.s32 $0x3  }
.LBB2_4:
0x1c: {  	_ =	swait.ge [sflag:s31], $0x2000  }
0x1d: {  	[sflag:s31] =	ssyncset.done $0x0  }
0x1e: {  	[sflag:s31] =	ssyncadd.s32 $0xFFFFE000  }
0x1f: {  	_ =	swait.ge [sflag:s6], $0x40  }
0x20: {  	[sflag:s6] =	ssyncset.done $0x0  }
0x21: {  	[sflag:s6] =	ssyncadd.s32 $0xFFFFFFC0  }
0x22: {  	[spmem:s3] =	stream.indirect.scatter.add.f32 [tilespmem:s0], [sflag:$0x9], $0x80, s30, s23, $0xb8;
	[tilespmem:$0x1EA00] =	vst v63  }
0x23: {  	_ =	swait.ge [sflag:s19], $0x2000  }
0x24: {  	[sflag:s19] =	ssyncset.done $0x0  }
0x25: {  	[sflag:s19] =	ssyncadd.s32 $0xFFFFE000  }
0x26: {  	[bflag:$0x0] =	sbarrier.arrive $0xFFFF  }
0x27: {  	s7 =	rddreg [dreg:$0xa]  }
0x28: {  	s9 =	rddreg [dreg:$0xe]  }
0x29: {  	[hbm:s7], [sflag:s18] =	dma.local [spmem:s9], $0x2800  }
0x2a: {  	_ =	swait.ge [sflag:s19], $0x2800  }
0x2b: {  	s8 =	sadd.s32 $0x1, s8;
	s20 =	rddreg [dreg:$0xb]  }
0x2c: {  	p0 =	sne.s32 s8, s20  }
.Ltmp1:
0x2d: {  	_ = 	snop;
	(pc) =	sbr.rel @!p0 .LBB2_5-.Ltmp1, $3  }
0x2e: {  	_ =	sdelay $0x1  }
0x2f: {  	[sflag:s19] =	ssyncset.done $0x0  }
0x30: {  	s11 =	smov.u32 s18;
	[sflag:s19] =	ssyncadd.s32 $0xFFFFD800  }
.LBB2_1:
0x31: {  	s7 =	rddreg [dreg:$0x4]  }
0x32: {  	[spmem:s9], [sflag:s11] =	dma.local [hbm:s7], $0x2800  }
0x33: {  	_ =	swait.ge [sflag:s19], $0x2800  }
0x34: {  	s17 =	simm.s32 $0x80;
	[sflag:s19] =	ssyncset.done $0x0  }
0x35: {  	s20 =	simm.s32 $0x400;
	s16 =	rddreg [dreg:$0x5];
	[sflag:s19] =	ssyncadd.s32 $0xFFFFD800  }
0x36: {  	[tilespmem:s4], [sflag:$0x9] =	stream.strided.gather [hbm4b:s16+s17], $0x2800, s20, s17, $0x38;
	[tilespmem:$0x1EA00] =	vst v63  }
0x37: {  	_ =	swait.ge [sflag:s19], $0x2800  }
0x38: {  	[sflag:s19] =	ssyncset.done $0x0  }
0x39: {  	[sflag:s19] =	ssyncadd.s32 $0xFFFFD800  }
0x3a: {  	[bflag:$0x0] =	sbarrier.arrive $0xFFFF  }
0x3b: {  	s12 =	rddreg [dreg:$0x6]  }
0x3c: {  	[tilespmem:s22], [sflag:$0x1] =	stream.linear.gather [hbm4b:s12+s4], $0x40, $0x38;
	[tilespmem:$0x1EA00] =	vst v63  }
0x3d: {  	_ = 	snop  }
0x3e: {  	[tilespmem:s24], [sflag:$0x5] =	stream.indirect.gather [hbm4b:s1+s23], $0x80, s4, s23, $0xb8;
	[tilespmem:$0x1EA00] =	vst v63  }
0x3f: {  	s14 =	simm.s32 $0x2880;
	s13 =	rddreg [dreg:$0x7]  }
0x40: {  	[tilespmem:s14], [sflag:$0x2] =	stream.linear.gather [hbm4b:s13+s4], $0x40, $0x38;
	[tilespmem:$0x1EA00] =	vst v63  }
0x41: {  	s15 =	simm.s32 $0x4A00  }
0x42: {  	[tilespmem:s15], [sflag:$0x6] =	stream.indirect.gather [hbm4b:s1+s23], $0x80, s23, s23, $0xb8;
	[tilespmem:$0x1EA00] =	vst v63  }
0x43: {  	s16 =	rddreg [dreg:$0x8]  }
0x44: {  	[tilespmem:s28], [sflag:$0x3] =	stream.linear.gather [hbm4b:s16+s4], $0x40, $0x38;
	[tilespmem:$0x1EA00] =	vst v63  }
0x45: {  	s16 =	rddreg [dreg:$0xc]  }
0x46: {  	[tilespmem:s29], [sflag:$0x7] =	stream.indirect.gather [hbm4b:s1+s23], $0x80, s17, s23, $0xb8;
	[tilespmem:$0x1EA00] =	vst v63  }
0x47: {  	s18 =	smov.u32 s11;
	s17 =	rddreg [dreg:$0x9]  }
0x48: {  	[tilespmem:s30], [sflag:$0x4] =	stream.linear.gather [hbm4b:s17+s4], $0x40, $0x38;
	[tilespmem:$0x1EA00] =	vst v63  }
0x49: {  	s20 =	simm.s32 $0xC0;
	s12 =	simm.s32 $0x0;
	s17 =	rddreg [dreg:$0xd]  }
0x4a: {  	[tilespmem:s0], [sflag:$0x8] =	stream.indirect.gather [hbm4b:s1+s23], $0x80, s20, s23, $0xb8;
	[tilespmem:$0x1EA00] =	vst v63  }
.LBB2_2:
0x4b: {  	_ =	swait.ge [sflag:s2], $0x2000  }
0x4c: {  	[sflag:s2] =	ssyncset.done $0x0  }
0x4d: {  	[sflag:s2] =	ssyncadd.s32 $0xFFFFE000  }
0x4e: {  	_ =	swait.ge [sflag:s21], $0x40  }
0x4f: {  	[sflag:s21] =	ssyncset.done $0x0  }
0x50: {  	[sflag:s21] =	ssyncadd.s32 $0xFFFFFFC0  }
0x51: {  	[spmem:s3] =	stream.indirect.scatter.add.f32 [tilespmem:s24], [sflag:$0x9], $0x80, s22, s23, $0xb8;
	[tilespmem:$0x1EA00] =	vst v63  }
0x52: {  	_ =	swait.ge [sflag:s19], $0x2000  }
0x53: {  	p0 =	seq.s32 s12, $0x9C00;
	[sflag:s19] =	ssyncset.done $0x0  }
0x54: {  	s14 =	simm.s32 @p0 $0x6;
	[sflag:s19] =	ssyncadd.s32 $0xFFFFE000  }
0x55: {  	_ =	swait.ge @p0 [sflag:s14], $0x2000  }
0x56: {  	[sflag:s14] =	ssyncset.done @p0 $0x0  }
0x57: {  	[sflag:s14] =	ssyncadd.s32 @p0 $0xFFFFE000;
	s14 =	simm.s32 @p0 $0x2  }
0x58: {  	_ =	swait.ge @p0 [sflag:s14], $0x40  }
0x59: {  	s15 =	simm.s32 @p0 $0x2880;
	[sflag:s14] =	ssyncset.done @p0 $0x0  }
0x5a: {  	s9 =	simm.s32 @p0 $0x4A00;
	[sflag:s14] =	ssyncadd.s32 @p0 $0xFFFFFFC0;
	s14 =	simm.s32 @p0 $0x40  }
0x5b: {  	[spmem:s3] =	stream.indirect.scatter.add.f32 @p0 [tilespmem:s9], [sflag:$0x9], $0x80, s15, s14, $0xb8;
	[tilespmem:$0x1EA00] =	vst v63  }
0x5c: {  	s9 =	simm.s32 @p0 $0x9  }
0x5d: {  	_ =	swait.ge @p0 [sflag:s9], $0x2000  }
0x5e: {  	[sflag:s9] =	ssyncset.done @p0 $0x0  }
0x5f: {  	[sflag:s9] =	ssyncadd.s32 @p0 $0xFFFFE000;
	s9 =	sshrl.u32 @!p0 s16, $0x3  }
0x60: {  	s20 =	simm.s32 @!p0 $0x2800;
	s15 =	simm.s32 @!p0 $0x0;
	s14 =	sadd.s32 @!p0 s5, s9  }
0x61: {  	[tilespmem:s20], [sflag:$0x1] =	stream.linear.gather @!p0 [hbm4b:s14+s15], $0x40, $0x38;
	[tilespmem:$0x1EA00] =	vst v63  }
0x62: {  	s14 =	sshra.s32 @!p0 s12, $0x2  }
0x63: {  	s13 =	simm.s32 @!p0 $0x40;
	s11 =	simm.s32 @!p0 $0x2A00;
	s20 =	sadd.s32 @!p0 $0x100, s14  }
0x64: {  	[tilespmem:s11], [sflag:$0x5] =	stream.indirect.gather @!p0 [hbm4b:s1+s13], $0x80, s20, s13, $0xb8;
	[tilespmem:$0x1EA00] =	vst v63  }
0x65: {  	s11 =	simm.s32 @!p0 $0x6  }
0x66: {  	_ =	swait.ge @!p0 [sflag:s11], $0x2000  }
0x67: {  	[sflag:s11] =	ssyncset.done @!p0 $0x0  }
0x68: {  	[sflag:s11] =	ssyncadd.s32 @!p0 $0xFFFFE000;
	s11 =	simm.s32 @!p0 $0x2  }
0x69: {  	_ =	swait.ge @!p0 [sflag:s11], $0x40  }
0x6a: {  	s7 =	simm.s32 @!p0 $0x9;
	[sflag:s11] =	ssyncset.done @!p0 $0x0  }
0x6b: {  	s20 =	simm.s32 @!p0 $0x4A00;
	[sflag:s11] =	ssyncadd.s32 @!p0 $0xFFFFFFC0;
	s11 =	simm.s32 @!p0 $0x2880  }
0x6c: {  	[spmem:s3] =	stream.indirect.scatter.add.f32 @!p0 [tilespmem:s20], [sflag:$0x9], $0x80, s11, s13, $0xb8;
	[tilespmem:$0x1EA00] =	vst v63  }
0x6d: {  	_ =	swait.ge @!p0 [sflag:s7], $0x2000  }
0x6e: {  	[sflag:s7] =	ssyncset.done @!p0 $0x0  }
0x6f: {  	[sflag:s7] =	ssyncadd.s32 @!p0 $0xFFFFE000;
	s7 =	sadd.s32 @!p0 s9, s10  }
0x70: {  	[tilespmem:s11], [sflag:$0x2] =	stream.linear.gather @!p0 [hbm4b:s7+s15], $0x40, $0x38;
	[tilespmem:$0x1EA00] =	vst v63  }
0x71: {  	s7 =	sadd.s32 @!p0 $0x140, s14  }
0x72: {  	[tilespmem:s20], [sflag:$0x6] =	stream.indirect.gather @!p0 [hbm4b:s1+s13], $0x80, s7, s13, $0xb8;
	[tilespmem:$0x1EA00] =	vst v63  }
0x73: {  	_ =	swait.ge [sflag:s25], $0x2000  }
0x74: {  	[sflag:s25] =	ssyncset.done $0x0  }
0x75: {  	[sflag:s25] =	ssyncadd.s32 $0xFFFFE000  }
0x76: {  	_ =	swait.ge [sflag:s26], $0x40  }
0x77: {  	[sflag:s26] =	ssyncset.done $0x0  }
.Ltmp2:
0x78: {  	[sflag:s26] =	ssyncadd.s32 $0xFFFFFFC0;
	(pc) =	sbr.rel @p0 .LBB2_4-.Ltmp2, $4  }
0x79: {  	[spmem:s3] =	stream.indirect.scatter.add.f32 [tilespmem:s29], [sflag:$0x9], $0x80, s28, s23, $0xb8;
	[tilespmem:$0x1EA00] =	vst v63  }
0x7a: {  	_ =	swait.ge [sflag:s19], $0x2000  }
0x7b: {  	[sflag:s19] =	ssyncset.done $0x0  }
0x7c: {  	[sflag:s19] =	ssyncadd.s32 $0xFFFFE000  }
0x7d: {  	[tilespmem:s28], [sflag:$0x3] =	stream.linear.gather [hbm4b:s17+s4], $0x40, $0x38;
	[tilespmem:$0x1EA00] =	vst v63  }
0x7e: {  	s7 =	sshra.s32 s12, $0x2  }
0x7f: {  	s9 =	sadd.s32 $0x180, s7  }
0x80: {  	[tilespmem:s29], [sflag:$0x7] =	stream.indirect.gather [hbm4b:s1+s23], $0x80, s9, s23, $0xb8;
	[tilespmem:$0x1EA00] =	vst v63  }
0x81: {  	_ =	swait.ge [sflag:s31], $0x2000  }
0x82: {  	[sflag:s31] =	ssyncset.done $0x0  }
0x83: {  	[sflag:s31] =	ssyncadd.s32 $0xFFFFE000  }
0x84: {  	_ =	swait.ge [sflag:s6], $0x40  }
0x85: {  	[sflag:s6] =	ssyncset.done $0x0  }
0x86: {  	[sflag:s6] =	ssyncadd.s32 $0xFFFFFFC0  }
0x87: {  	[spmem:s3] =	stream.indirect.scatter.add.f32 [tilespmem:s0], [sflag:$0x9], $0x80, s30, s23, $0xb8;
	[tilespmem:$0x1EA00] =	vst v63  }
0x88: {  	_ =	swait.ge [sflag:s19], $0x2000  }
.Ltmp3:
0x89: {  	[sflag:s19] =	ssyncset.done $0x0;
	(pc) =	sbr.rel .LBB2_2-.Ltmp3, $4  }
0x8a: {  	s20 =	sadd.s32 $0x8, s17;
	s16 =	sadd.s32 $0x800, s16;
	[sflag:s19] =	ssyncadd.s32 $0xFFFFE000  }
0x8b: {  	[tilespmem:s30], [sflag:$0x4] =	stream.linear.gather [hbm4b:s20+s4], $0x40, $0x38;
	[tilespmem:$0x1EA00] =	vst v63  }
0x8c: {  	s12 =	sadd.s32 $0x400, s12;
	s17 =	sadd.s32 $0x100, s17;
	s7 =	sadd.s32 $0x1C0, s7  }
0x8d: {  	[tilespmem:s0], [sflag:$0x8] =	stream.indirect.gather [hbm4b:s1+s23], $0x80, s7, s23, $0xb8;
	[tilespmem:$0x1EA00] =	vst v63  }
.LBB2_5:
0x8e: {  	_ =	sfence.sel $0x180000  }
0x8f: {  	[bflag:$0x0] =	sbarrier.arrive $0xFFFF  }
0x90: {  	_ =	strace $0x9000004A  }
0x91: {  	s0 =	stileid.u32;
	[bflag:$0x2] =	sbarrier.arrive $0xFFFF  }
0x92: {  	p0 =	sne.s32 s0, $0x0;
	s0 =	rddreg [dreg:$0x3]  }
0x93: {  	s0 =	sadd.s32 @!p0 $0x100000, s0  }
0x94: {  	[sflag:s0] =	ssyncadd.tile.s32 @!p0 $0x1;
	_ =	shalt  }
.Lfunc_end2:
_tile_overlayer_lowered:
.L_overlay_start_2:
0x95: {  	(tag) =	ssettag $0x2  }
0x96: {  	s0 =	rddreg [dreg:$0x0];
	s2 =	stileid.u32  }
0x97: {  	s1 =	rddreg [dreg:$0x1];
	p0 =	sne.s32 s2, $0x0  }
0x98: {  	s3 =	rddreg [dreg:$0x2];
	[bflag:$0x3] =	sbarrier.arrive $0xFFFF;
	s2 =	simm.s32 @!p0 $0x1C09  }
0x99: {  	[timem:s3], [sflag:s2] =	dma.local @!p0 [hbm:s0], s1  }
0x9a: {  	s0 =	simm.s32 @!p0 $0x9  }
0x9b: {  	_ =	swait.ge @!p0 [sflag:s0], s1  }
0x9c: {  	s1 =	ssub.s32 @!p0 $0x0, s1;
	[sflag:s0] =	ssyncset.done @!p0 $0x0  }
0x9d: {  	[sflag:s0] =	ssyncadd.s32 @!p0 s1  }
0x9e: {  	[bflag:$0x3] =	sbarrier.arrive $0xFFFF  }
0x9f: {  	_ =	shalt  }

</sc_bundles>
